<compile_context>
chip_gen: v7x
topology: tpu7x:2x2x1
jax: 0.10.2.dev20260603
libtpu: 0.0.44.dev20260713+nightly
codegen_flags: <defaults>
</compile_context>

<pallas_src>
import functools

import jax
import jax.numpy as jnp
from jax import lax
from jax.experimental import pallas as pl
from jax.experimental.pallas import tpu as pltpu
from jax.experimental.pallas import tpu_sc as plsc

NC = 2
NS = 16
NW = NC * NS
CHUNK = 128


def _pad_rows(N):
    return ((N + NS * CHUNK - 1) // (NS * CHUNK)) * (NS * CHUNK)


def _deg_kernel(N, D, n_chunks):
    Np = _pad_rows(N)
    rows_per_tile = Np // NS
    OB = CHUNK
    mesh = plsc.VectorSubcoreMesh(core_axis_name="c", subcore_axis_name="s")

    @functools.partial(
        pl.kernel,
        out_type=jax.ShapeDtypeStruct((NC, Np, D), jnp.float32),
        mesh=mesh,
        scratch_types=[
            pltpu.VMEM((n_chunks, CHUNK), jnp.int32),
            pltpu.VMEM((CHUNK, D), jnp.float32),
            pltpu.VMEM_SHARED((Np, D), jnp.float32),
        ],
    )
    def k(dst_hbm, out_hbm, didx, ones_b, acc):
        c = lax.axis_index("c")
        s = lax.axis_index("s")

        @pl.loop(0, CHUNK)
        def _zero(i):
            for t in range(D // 16):
                ones_b[i, pl.ds(t * 16, 16)] = jnp.zeros((16,), jnp.float32)

        @pl.loop(0, rows_per_tile // OB)
        def _zacc(t):
            pltpu.sync_copy(ones_b, acc.at[pl.ds(s * rows_per_tile + t * OB, OB)])

        @pl.loop(0, CHUNK)
        def _fill(i):
            for t in range(D // 16):
                ones_b[i, pl.ds(t * 16, 16)] = jnp.ones((16,), jnp.float32)

        pltpu.sync_copy(dst_hbm.at[c, s], didx)
        plsc.subcore_barrier()

        @pl.loop(0, n_chunks)
        def _accum(j):
            pltpu.sync_copy(ones_b, acc.at[didx.at[j]], add=True)

        plsc.subcore_barrier()

        @pl.loop(0, rows_per_tile // OB)
        def _out(t):
            r0 = s * rows_per_tile + t * OB
            pltpu.sync_copy(acc.at[pl.ds(r0, OB)], out_hbm.at[c, pl.ds(r0, OB)])

    return k


def _seg_kernel(N, D, n_chunks):
    Np = _pad_rows(N)
    rows_per_tile = Np // NS
    OB = CHUNK
    mesh = plsc.VectorSubcoreMesh(core_axis_name="c", subcore_axis_name="s")

    @functools.partial(
        pl.kernel,
        out_type=jax.ShapeDtypeStruct((NC, Np, D), jnp.float32),
        mesh=mesh,
        scratch_types=[
            pltpu.VMEM((n_chunks, CHUNK), jnp.int32),
            pltpu.VMEM((n_chunks, CHUNK), jnp.int32),
            pltpu.VMEM((CHUNK, D), jnp.float32),
            pltpu.VMEM_SHARED((Np, D), jnp.float32),
            pltpu.SemaphoreType.DMA,
        ],
    )
    def k(g_hbm, src_hbm, dst_hbm, out_hbm, sidx, didx, rows, acc, sem):
        c = lax.axis_index("c")
        s = lax.axis_index("s")

        @pl.loop(0, CHUNK)
        def _zero(i):
            for t in range(D // 16):
                rows[i, pl.ds(t * 16, 16)] = jnp.zeros((16,), jnp.float32)

        @pl.loop(0, rows_per_tile // OB)
        def _zacc(t):
            pltpu.sync_copy(rows, acc.at[pl.ds(s * rows_per_tile + t * OB, OB)])

        pltpu.sync_copy(src_hbm.at[c, s], sidx)
        pltpu.sync_copy(dst_hbm.at[c, s], didx)
        plsc.subcore_barrier()

        @pl.loop(0, n_chunks)
        def _edges(j):
            pltpu.async_copy(g_hbm.at[sidx.at[j]], rows, sem).wait()
            pltpu.sync_copy(rows, acc.at[didx.at[j]], add=True)

        plsc.subcore_barrier()

        @pl.loop(0, rows_per_tile // OB)
        def _out(t):
            r0 = s * rows_per_tile + t * OB
            pltpu.sync_copy(acc.at[pl.ds(r0, OB)], out_hbm.at[c, pl.ds(r0, OB)])

    return k


_BR = 2000


def _tc_pre(N, D):
    def body(x_ref, w_ref, degp_ref, g_ref, dinv_ref):
        deg = degp_ref[0, :, 0:1] + degp_ref[1, :, 0:1] + 1.0
        dinv = lax.rsqrt(deg)
        dinv_ref[...] = dinv
        g_ref[...] = jnp.dot(x_ref[...], w_ref[...],
                             preferred_element_type=jnp.float32) * dinv

    return pl.pallas_call(
        body,
        grid=(N // _BR,),
        in_specs=[
            pl.BlockSpec((_BR, D), lambda i: (i, 0)),
            pl.BlockSpec((D, D), lambda i: (0, 0)),
            pl.BlockSpec((NC, _BR, D), lambda i: (0, i, 0)),
        ],
        out_specs=[
            pl.BlockSpec((_BR, D), lambda i: (i, 0)),
            pl.BlockSpec((_BR, 1), lambda i: (i, 0)),
        ],
        out_shape=[
            jax.ShapeDtypeStruct((N, D), jnp.float32),
            jax.ShapeDtypeStruct((N, 1), jnp.float32),
        ],
    )


def _tc_mid(N, D):
    def body(h_ref, S_ref, g_ref, dinv_ref, b_ref, wn_ref, h_out, gn_out):
        dinv = dinv_ref[...]
        agg = dinv * (S_ref[0] + S_ref[1] + g_ref[...]) + b_ref[...]
        h = h_ref[...] + jnp.maximum(agg, 0.0)
        h_out[...] = h
        gn_out[...] = jnp.dot(h, wn_ref[...],
                              preferred_element_type=jnp.float32) * dinv

    return pl.pallas_call(
        body,
        grid=(N // _BR,),
        in_specs=[
            pl.BlockSpec((_BR, D), lambda i: (i, 0)),
            pl.BlockSpec((NC, _BR, D), lambda i: (0, i, 0)),
            pl.BlockSpec((_BR, D), lambda i: (i, 0)),
            pl.BlockSpec((_BR, 1), lambda i: (i, 0)),
            pl.BlockSpec((1, D), lambda i: (0, 0)),
            pl.BlockSpec((D, D), lambda i: (0, 0)),
        ],
        out_specs=[
            pl.BlockSpec((_BR, D), lambda i: (i, 0)),
            pl.BlockSpec((_BR, D), lambda i: (i, 0)),
        ],
        out_shape=[
            jax.ShapeDtypeStruct((N, D), jnp.float32),
            jax.ShapeDtypeStruct((N, D), jnp.float32),
        ],
    )


def _tc_post(N, D):
    def body(h_ref, S_ref, g_ref, dinv_ref, b_ref, wh_ref, bh_ref, out_ref):
        dinv = dinv_ref[...]
        agg = dinv * (S_ref[0] + S_ref[1] + g_ref[...]) + b_ref[...]
        h = h_ref[...] + jnp.maximum(agg, 0.0)
        out_ref[...] = jnp.dot(h, wh_ref[...],
                               preferred_element_type=jnp.float32) + bh_ref[...]

    return pl.pallas_call(
        body,
        grid=(N // _BR,),
        in_specs=[
            pl.BlockSpec((_BR, D), lambda i: (i, 0)),
            pl.BlockSpec((NC, _BR, D), lambda i: (0, i, 0)),
            pl.BlockSpec((_BR, D), lambda i: (i, 0)),
            pl.BlockSpec((_BR, 1), lambda i: (i, 0)),
            pl.BlockSpec((1, D), lambda i: (0, 0)),
            pl.BlockSpec((D, D), lambda i: (0, 0)),
            pl.BlockSpec((1, D), lambda i: (0, 0)),
        ],
        out_specs=pl.BlockSpec((_BR, D), lambda i: (i, 0)),
        out_shape=jax.ShapeDtypeStruct((N, D), jnp.float32),
    )


def kernel(x, edge_index, W0, b0, W1, b1, W2, b2, Wh, bh):
    N, D = x.shape
    E = edge_index.shape[1]
    Et = E // NW
    Etp = ((Et + CHUNK - 1) // CHUNK) * CHUNK
    n_chunks = Etp // CHUNK

    ei = edge_index.astype(jnp.int32).reshape(2, NW, Et)
    pad = Etp - Et
    src = jnp.pad(ei[0], ((0, 0), (0, pad))).reshape(NC, NS, n_chunks, CHUNK)
    dst = jnp.pad(ei[1], ((0, 0), (0, pad)),
                  constant_values=N).reshape(NC, NS, n_chunks, CHUNK)

    degp = _deg_kernel(N, D, n_chunks)(dst)

    b0r = b0.reshape(1, D)
    b1r = b1.reshape(1, D)
    b2r = b2.reshape(1, D)
    bhr = bh.reshape(1, D)

    seg = _seg_kernel(N, D, n_chunks)
    mid = _tc_mid(N, D)

    g1, dinv = _tc_pre(N, D)(x, W0, degp)
    S1 = seg(g1, src, dst)
    h1, g2 = mid(x, S1, g1, dinv, b0r, W1)
    S2 = seg(g2, src, dst)
    h2, g3 = mid(h1, S2, g2, dinv, b1r, W2)
    S3 = seg(g3, src, dst)
    out = _tc_post(N, D)(h2, S3, g3, dinv, b2r, Wh, bhr)
    return out

# --- scband reference (transcript-rebuilt; emitter-appended) ---
"""Pipeline reference for scband-custom-gnn-64037962383830 (READ-ONLY COPY).

The authoritative reference and input builder live on the scoring server;
editing this copy changes nothing except your own understanding.
"""

import jax, jax.numpy as jnp
import numpy as np

N = 10000
E = 320000
D = 128


def _glorot(key, shape):
    return jax.random.normal(key, shape, dtype=jnp.float32) * (2.0 / (shape[0] + shape[1])) ** 0.5


def setup_inputs(seed: int = 0) -> dict:
    key = jax.random.key(seed)
    ks = jax.random.split(key, 10)
    x = jax.random.normal(ks[0], (N, D), dtype=jnp.float32)
    edge_index = jax.random.randint(ks[1], (2, E), 0, N).astype(jnp.int64)
    W0 = _glorot(ks[2], (D, D)); b0 = jnp.zeros((D,), jnp.float32)
    W1 = _glorot(ks[3], (D, D)); b1 = jnp.zeros((D,), jnp.float32)
    W2 = _glorot(ks[4], (D, D)); b2 = jnp.zeros((D,), jnp.float32)
    Wh = _glorot(ks[5], (D, D)); bh = jnp.zeros((D,), jnp.float32)
    return {"x": x, "edge_index": edge_index,
            "W0": W0, "b0": b0, "W1": W1, "b1": b1,
            "W2": W2, "b2": b2, "Wh": Wh, "bh": bh}


def _gcn_conv(h, edge_index, W, b):
    n = h.shape[0]
    src = edge_index[0]
    dst = edge_index[1]
    loop = jnp.arange(n, dtype=src.dtype)
    src = jnp.concatenate([src, loop])
    dst = jnp.concatenate([dst, loop])
    deg = jax.ops.segment_sum(jnp.ones_like(dst, dtype=jnp.float32), dst, num_segments=n)
    dinv = jnp.where(deg > 0, deg ** -0.5, 0.0)
    norm = dinv[src] * dinv[dst]
    hw = h @ W
    msg = hw[src] * norm[:, None]
    agg = jax.ops.segment_sum(msg, dst, num_segments=n)
    return agg + b


def reference(x, edge_index, W0, b0, W1, b1, W2, b2, Wh, bh):
    # GCNConvLayer: conv -> relu -> (dropout=0, eval) -> residual add
    def layer(h_in, W, b):
        h = _gcn_conv(h_in, edge_index, W, b)
        h = jax.nn.relu(h)
        return h_in + h

    h = layer(x, W0, b0)   # pre_mp (dim_in == dim_inner == 128)
    h = layer(h, W1, b1)   # mp layer 1
    h = layer(h, W2, b2)   # mp layer 2
    out = h @ Wh + bh      # post_mp node head (linear)
    return out

if __name__ == "__main__":
    import jax
    _d = setup_inputs()
    print(jax.jit(kernel)(*tuple(_d.values())))

</pallas_src>

<mosaic_0001>
#map = affine_map<(d0, d1) -> (0, 0, 0, 0)>
#map1 = affine_map<(d0, d1) -> (0, 0, 0)>
module attributes {stable_mosaic.version = 14 : i64} {
  func.func @k(%arg0: i32, %arg1: i32, %arg2: memref<2x16x79x128xi32, #tpu.memory_space<hbm>>, %arg3: memref<2x10240x128xf32, #tpu.memory_space<hbm>>, %arg4: memref<79x128xi32, #tpu.memory_space<vmem>>, %arg5: memref<128x128xf32, #tpu.memory_space<vmem>>, %arg6: memref<10240x128xf32, #tpu.memory_space<vmem_shared>>) attributes {dimension_semantics = [#tpu.dimension_semantics<core_parallel>, #tpu.dimension_semantics<subcore_parallel>], iteration_bounds = array<i64: 2, 16>, scalar_prefetch = 0 : i64, scratch_operands = 3 : i64, tpu.core_type = #tpu.core_type<sc_vector_subcore>, window_params = [{transform_indices = #map}, {transform_indices = #map1}]} {
    %scan3A = arith.constant 0 : i32
    %scan3A_0 = arith.constant 128 : i32
    %scan3A_1 = arith.addi %scan3A, %scan3A_0 : i32
    %scan3A_2 = arith.constant 1 : i32
    scf.for %scan3A_25 = %scan3A to %scan3A_1 step %scan3A_2  : i32 {
      %mul3A = arith.constant 1 : i32
      %mul3A_26 = arith.muli %scan3A_25, %mul3A : i32
      %add3A = arith.constant 0 : i32
      %add3A_27 = arith.addi %add3A, %mul3A_26 : i32
      %broadcast_in_dim3A = arith.constant 0.000000e+00 : f32
      %broadcast_in_dim3A_28 = vector.broadcast %broadcast_in_dim3A : f32 to vector<16xf32>
      %swap3A = arith.index_cast %add3A_27 : i32 to index
      %swap3A_29 = arith.constant 0 : index
      %swap3A_30 = tpu.vector_load %arg5[%swap3A, %swap3A_29] {strides = array<i32>} : memref<128x128xf32, #tpu.memory_space<vmem>>, vector<1x16xf32>,
      %swap3A_31 = vector.shape_cast %swap3A_30 : vector<1x16xf32> to vector<16xf32>
      %swap3A_32 = vector.shape_cast %broadcast_in_dim3A_28 : vector<16xf32> to vector<1x16xf32>
      tpu.vector_store %arg5[%swap3A, %swap3A_29], %swap3A_32 {strides = array<i32>} : memref<128x128xf32, #tpu.memory_space<vmem>>, vector<1x16xf32>,
      %broadcast_in_dim3A_33 = arith.constant 0.000000e+00 : f32
      %broadcast_in_dim3A_34 = vector.broadcast %broadcast_in_dim3A_33 : f32 to vector<16xf32>
      %swap3A_35 = arith.index_cast %add3A_27 : i32 to index
      %swap3A_36 = arith.constant 16 : index
      %swap3A_37 = tpu.vector_load %arg5[%swap3A_35, %swap3A_36] {strides = array<i32>} : memref<128x128xf32, #tpu.memory_space<vmem>>, vector<1x16xf32>,
      %swap3A_38 = vector.shape_cast %swap3A_37 : vector<1x16xf32> to vector<16xf32>
      %swap3A_39 = vector.shape_cast %broadcast_in_dim3A_34 : vector<16xf32> to vector<1x16xf32>
      tpu.vector_store %arg5[%swap3A_35, %swap3A_36], %swap3A_39 {strides = array<i32>} : memref<128x128xf32, #tpu.memory_space<vmem>>, vector<1x16xf32>,
      %broadcast_in_dim3A_40 = arith.constant 0.000000e+00 : f32
      %broadcast_in_dim3A_41 = vector.broadcast %broadcast_in_dim3A_40 : f32 to vector<16xf32>
      %swap3A_42 = arith.index_cast %add3A_27 : i32 to index
      %swap3A_43 = arith.constant 32 : index
      %swap3A_44 = tpu.vector_load %arg5[%swap3A_42, %swap3A_43] {strides = array<i32>} : memref<128x128xf32, #tpu.memory_space<vmem>>, vector<1x16xf32>,
      %swap3A_45 = vector.shape_cast %swap3A_44 : vector<1x16xf32> to vector<16xf32>
      %swap3A_46 = vector.shape_cast %broadcast_in_dim3A_41 : vector<16xf32> to vector<1x16xf32>
      tpu.vector_store %arg5[%swap3A_42, %swap3A_43], %swap3A_46 {strides = array<i32>} : memref<128x128xf32, #tpu.memory_space<vmem>>, vector<1x16xf32>,
      %broadcast_in_dim3A_47 = arith.constant 0.000000e+00 : f32
      %broadcast_in_dim3A_48 = vector.broadcast %broadcast_in_dim3A_47 : f32 to vector<16xf32>
      %swap3A_49 = arith.index_cast %add3A_27 : i32 to index
      %swap3A_50 = arith.constant 48 : index
      %swap3A_51 = tpu.vector_load %arg5[%swap3A_49, %swap3A_50] {strides = array<i32>} : memref<128x128xf32, #tpu.memory_space<vmem>>, vector<1x16xf32>,
      %swap3A_52 = vector.shape_cast %swap3A_51 : vector<1x16xf32> to vector<16xf32>
      %swap3A_53 = vector.shape_cast %broadcast_in_dim3A_48 : vector<16xf32> to vector<1x16xf32>
      tpu.vector_store %arg5[%swap3A_49, %swap3A_50], %swap3A_53 {strides = array<i32>} : memref<128x128xf32, #tpu.memory_space<vmem>>, vector<1x16xf32>,
      %broadcast_in_dim3A_54 = arith.constant 0.000000e+00 : f32
      %broadcast_in_dim3A_55 = vector.broadcast %broadcast_in_dim3A_54 : f32 to vector<16xf32>
      %swap3A_56 = arith.index_cast %add3A_27 : i32 to index
      %swap3A_57 = arith.constant 64 : index
      %swap3A_58 = tpu.vector_load %arg5[%swap3A_56, %swap3A_57] {strides = array<i32>} : memref<128x128xf32, #tpu.memory_space<vmem>>, vector<1x16xf32>,
      %swap3A_59 = vector.shape_cast %swap3A_58 : vector<1x16xf32> to vector<16xf32>
      %swap3A_60 = vector.shape_cast %broadcast_in_dim3A_55 : vector<16xf32> to vector<1x16xf32>
      tpu.vector_store %arg5[%swap3A_56, %swap3A_57], %swap3A_60 {strides = array<i32>} : memref<128x128xf32, #tpu.memory_space<vmem>>, vector<1x16xf32>,
      %broadcast_in_dim3A_61 = arith.constant 0.000000e+00 : f32
      %broadcast_in_dim3A_62 = vector.broadcast %broadcast_in_dim3A_61 : f32 to vector<16xf32>
      %swap3A_63 = arith.index_cast %add3A_27 : i32 to index
      %swap3A_64 = arith.constant 80 : index
      %swap3A_65 = tpu.vector_load %arg5[%swap3A_63, %swap3A_64] {strides = array<i32>} : memref<128x128xf32, #tpu.memory_space<vmem>>, vector<1x16xf32>,
      %swap3A_66 = vector.shape_cast %swap3A_65 : vector<1x16xf32> to vector<16xf32>
      %swap3A_67 = vector.shape_cast %broadcast_in_dim3A_62 : vector<16xf32> to vector<1x16xf32>
      tpu.vector_store %arg5[%swap3A_63, %swap3A_64], %swap3A_67 {strides = array<i32>} : memref<128x128xf32, #tpu.memory_space<vmem>>, vector<1x16xf32>,
      %broadcast_in_dim3A_68 = arith.constant 0.000000e+00 : f32
      %broadcast_in_dim3A_69 = vector.broadcast %broadcast_in_dim3A_68 : f32 to vector<16xf32>
      %swap3A_70 = arith.index_cast %add3A_27 : i32 to index
      %swap3A_71 = arith.constant 96 : index
      %swap3A_72 = tpu.vector_load %arg5[%swap3A_70, %swap3A_71] {strides = array<i32>} : memref<128x128xf32, #tpu.memory_space<vmem>>, vector<1x16xf32>,
      %swap3A_73 = vector.shape_cast %swap3A_72 : vector<1x16xf32> to vector<16xf32>
      %swap3A_74 = vector.shape_cast %broadcast_in_dim3A_69 : vector<16xf32> to vector<1x16xf32>
      tpu.vector_store %arg5[%swap3A_70, %swap3A_71], %swap3A_74 {strides = array<i32>} : memref<128x128xf32, #tpu.memory_space<vmem>>, vector<1x16xf32>,
      %broadcast_in_dim3A_75 = arith.constant 0.000000e+00 : f32
      %broadcast_in_dim3A_76 = vector.broadcast %broadcast_in_dim3A_75 : f32 to vector<16xf32>
      %swap3A_77 = arith.index_cast %add3A_27 : i32 to index
      %swap3A_78 = arith.constant 112 : index
      %swap3A_79 = tpu.vector_load %arg5[%swap3A_77, %swap3A_78] {strides = array<i32>} : memref<128x128xf32, #tpu.memory_space<vmem>>, vector<1x16xf32>,
      %swap3A_80 = vector.shape_cast %swap3A_79 : vector<1x16xf32> to vector<16xf32>
      %swap3A_81 = vector.shape_cast %broadcast_in_dim3A_76 : vector<16xf32> to vector<1x16xf32>
      tpu.vector_store %arg5[%swap3A_77, %swap3A_78], %swap3A_81 {strides = array<i32>} : memref<128x128xf32, #tpu.memory_space<vmem>>, vector<1x16xf32>,
    }
    %scan3A_3 = arith.constant 128 : i32
    %scan3A_4 = arith.constant 0 : i32
    %scan3A_5 = arith.constant 5 : i32
    %scan3A_6 = arith.addi %scan3A_4, %scan3A_5 : i32
    %scan3A_7 = arith.constant 1 : i32
    scf.for %scan3A_25 = %scan3A_4 to %scan3A_6 step %scan3A_7  : i32 {
      %mul3A = arith.constant 1 : i32
      %mul3A_26 = arith.muli %scan3A_25, %mul3A : i32
      %add3A = arith.constant 0 : i32
      %add3A_27 = arith.addi %add3A, %mul3A_26 : i32
      %mul3A_28 = arith.constant 640 : i32
      %mul3A_29 = arith.muli %arg1, %mul3A_28 : i32
      %mul3A_30 = arith.constant 128 : i32
      %mul3A_31 = arith.muli %add3A_27, %mul3A_30 : i32
      %add3A_32 = arith.addi %mul3A_29, %mul3A_31 : i32
      "tpu.region"() ({
        %run_scoped3A = tpu.sem_alloc : memref<!tpu.dma_semaphore, #tpu.memory_space<semaphore_mem>>
        %dma_start3A = arith.constant 0 : i32
        %dma_start3A_33 = tpu.memref_slice %arg6[%add3A_32, %dma_start3A] : memref<10240x128xf32, #tpu.memory_space<vmem_shared>> -> memref<128x128xf32, #tpu.memory_space<vmem_shared>>
        %dma_start3A_34 = arith.constant 0 : i32
        %dma_start3A_35 = tpu.memref_slice %arg6[%add3A_32, %dma_start3A_34] : memref<10240x128xf32, #tpu.memory_space<vmem_shared>> -> memref<128x128xf32, #tpu.memory_space<vmem_shared>>
        tpu.enqueue_dma source(%arg5 : memref<128x128xf32, #tpu.memory_space<vmem>>) target(%dma_start3A_35 : memref<128x128xf32, #tpu.memory_space<vmem_shared>>) target_semaphore(%run_scoped3A : memref<!tpu.dma_semaphore, #tpu.memory_space<semaphore_mem>>)
        %dma_wait3A = arith.constant 0 : i32
        %dma_wait3A_36 = tpu.memref_slice %arg6[%add3A_32, %dma_wait3A] : memref<10240x128xf32, #tpu.memory_space<vmem_shared>> -> memref<128x128xf32, #tpu.memory_space<vmem_shared>>
        %dma_wait3A_37 = arith.constant 0 : i32
        %dma_wait3A_38 = tpu.memref_slice %arg6[%add3A_32, %dma_wait3A_37] : memref<10240x128xf32, #tpu.memory_space<vmem_shared>> -> memref<128x128xf32, #tpu.memory_space<vmem_shared>>
        tpu.wait_dma2 semaphore(%run_scoped3A : memref<!tpu.dma_semaphore, #tpu.memory_space<semaphore_mem>>) src(%arg5 : memref<128x128xf32, #tpu.memory_space<vmem>>) dst(%dma_wait3A_38 : memref<128x128xf32, #tpu.memory_space<vmem_shared>>)
        tpu.yield
      }) : () -> ()
    }
    %scan3A_8 = arith.constant 5 : i32
    %scan3A_9 = arith.constant 0 : i32
    %scan3A_10 = arith.constant 128 : i32
    %scan3A_11 = arith.addi %scan3A_9, %scan3A_10 : i32
    %scan3A_12 = arith.constant 1 : i32
    scf.for %scan3A_25 = %scan3A_9 to %scan3A_11 step %scan3A_12  : i32 {
      %mul3A = arith.constant 1 : i32
      %mul3A_26 = arith.muli %scan3A_25, %mul3A : i32
      %add3A = arith.constant 0 : i32
      %add3A_27 = arith.addi %add3A, %mul3A_26 : i32
      %broadcast_in_dim3A = arith.constant 1.000000e+00 : f32
      %broadcast_in_dim3A_28 = vector.broadcast %broadcast_in_dim3A : f32 to vector<16xf32>
      %swap3A = arith.index_cast %add3A_27 : i32 to index
      %swap3A_29 = arith.constant 0 : index
      %swap3A_30 = tpu.vector_load %arg5[%swap3A, %swap3A_29] {strides = array<i32>} : memref<128x128xf32, #tpu.memory_space<vmem>>, vector<1x16xf32>,
      %swap3A_31 = vector.shape_cast %swap3A_30 : vector<1x16xf32> to vector<16xf32>
      %swap3A_32 = vector.shape_cast %broadcast_in_dim3A_28 : vector<16xf32> to vector<1x16xf32>
      tpu.vector_store %arg5[%swap3A, %swap3A_29], %swap3A_32 {strides = array<i32>} : memref<128x128xf32, #tpu.memory_space<vmem>>, vector<1x16xf32>,
      %broadcast_in_dim3A_33 = arith.constant 1.000000e+00 : f32
      %broadcast_in_dim3A_34 = vector.broadcast %broadcast_in_dim3A_33 : f32 to vector<16xf32>
      %swap3A_35 = arith.index_cast %add3A_27 : i32 to index
      %swap3A_36 = arith.constant 16 : index
      %swap3A_37 = tpu.vector_load %arg5[%swap3A_35, %swap3A_36] {strides = array<i32>} : memref<128x128xf32, #tpu.memory_space<vmem>>, vector<1x16xf32>,
      %swap3A_38 = vector.shape_cast %swap3A_37 : vector<1x16xf32> to vector<16xf32>
      %swap3A_39 = vector.shape_cast %broadcast_in_dim3A_34 : vector<16xf32> to vector<1x16xf32>
      tpu.vector_store %arg5[%swap3A_35, %swap3A_36], %swap3A_39 {strides = array<i32>} : memref<128x128xf32, #tpu.memory_space<vmem>>, vector<1x16xf32>,
      %broadcast_in_dim3A_40 = arith.constant 1.000000e+00 : f32
      %broadcast_in_dim3A_41 = vector.broadcast %broadcast_in_dim3A_40 : f32 to vector<16xf32>
      %swap3A_42 = arith.index_cast %add3A_27 : i32 to index
      %swap3A_43 = arith.constant 32 : index
      %swap3A_44 = tpu.vector_load %arg5[%swap3A_42, %swap3A_43] {strides = array<i32>} : memref<128x128xf32, #tpu.memory_space<vmem>>, vector<1x16xf32>,
      %swap3A_45 = vector.shape_cast %swap3A_44 : vector<1x16xf32> to vector<16xf32>
      %swap3A_46 = vector.shape_cast %broadcast_in_dim3A_41 : vector<16xf32> to vector<1x16xf32>
      tpu.vector_store %arg5[%swap3A_42, %swap3A_43], %swap3A_46 {strides = array<i32>} : memref<128x128xf32, #tpu.memory_space<vmem>>, vector<1x16xf32>,
      %broadcast_in_dim3A_47 = arith.constant 1.000000e+00 : f32
      %broadcast_in_dim3A_48 = vector.broadcast %broadcast_in_dim3A_47 : f32 to vector<16xf32>
      %swap3A_49 = arith.index_cast %add3A_27 : i32 to index
      %swap3A_50 = arith.constant 48 : index
      %swap3A_51 = tpu.vector_load %arg5[%swap3A_49, %swap3A_50] {strides = array<i32>} : memref<128x128xf32, #tpu.memory_space<vmem>>, vector<1x16xf32>,
      %swap3A_52 = vector.shape_cast %swap3A_51 : vector<1x16xf32> to vector<16xf32>
      %swap3A_53 = vector.shape_cast %broadcast_in_dim3A_48 : vector<16xf32> to vector<1x16xf32>
      tpu.vector_store %arg5[%swap3A_49, %swap3A_50], %swap3A_53 {strides = array<i32>} : memref<128x128xf32, #tpu.memory_space<vmem>>, vector<1x16xf32>,
      %broadcast_in_dim3A_54 = arith.constant 1.000000e+00 : f32
      %broadcast_in_dim3A_55 = vector.broadcast %broadcast_in_dim3A_54 : f32 to vector<16xf32>
      %swap3A_56 = arith.index_cast %add3A_27 : i32 to index
      %swap3A_57 = arith.constant 64 : index
      %swap3A_58 = tpu.vector_load %arg5[%swap3A_56, %swap3A_57] {strides = array<i32>} : memref<128x128xf32, #tpu.memory_space<vmem>>, vector<1x16xf32>,
      %swap3A_59 = vector.shape_cast %swap3A_58 : vector<1x16xf32> to vector<16xf32>
      %swap3A_60 = vector.shape_cast %broadcast_in_dim3A_55 : vector<16xf32> to vector<1x16xf32>
      tpu.vector_store %arg5[%swap3A_56, %swap3A_57], %swap3A_60 {strides = array<i32>} : memref<128x128xf32, #tpu.memory_space<vmem>>, vector<1x16xf32>,
      %broadcast_in_dim3A_61 = arith.constant 1.000000e+00 : f32
      %broadcast_in_dim3A_62 = vector.broadcast %broadcast_in_dim3A_61 : f32 to vector<16xf32>
      %swap3A_63 = arith.index_cast %add3A_27 : i32 to index
      %swap3A_64 = arith.constant 80 : index
      %swap3A_65 = tpu.vector_load %arg5[%swap3A_63, %swap3A_64] {strides = array<i32>} : memref<128x128xf32, #tpu.memory_space<vmem>>, vector<1x16xf32>,
      %swap3A_66 = vector.shape_cast %swap3A_65 : vector<1x16xf32> to vector<16xf32>
      %swap3A_67 = vector.shape_cast %broadcast_in_dim3A_62 : vector<16xf32> to vector<1x16xf32>
      tpu.vector_store %arg5[%swap3A_63, %swap3A_64], %swap3A_67 {strides = array<i32>} : memref<128x128xf32, #tpu.memory_space<vmem>>, vector<1x16xf32>,
      %broadcast_in_dim3A_68 = arith.constant 1.000000e+00 : f32
      %broadcast_in_dim3A_69 = vector.broadcast %broadcast_in_dim3A_68 : f32 to vector<16xf32>
      %swap3A_70 = arith.index_cast %add3A_27 : i32 to index
      %swap3A_71 = arith.constant 96 : index
      %swap3A_72 = tpu.vector_load %arg5[%swap3A_70, %swap3A_71] {strides = array<i32>} : memref<128x128xf32, #tpu.memory_space<vmem>>, vector<1x16xf32>,
      %swap3A_73 = vector.shape_cast %swap3A_72 : vector<1x16xf32> to vector<16xf32>
      %swap3A_74 = vector.shape_cast %broadcast_in_dim3A_69 : vector<16xf32> to vector<1x16xf32>
      tpu.vector_store %arg5[%swap3A_70, %swap3A_71], %swap3A_74 {strides = array<i32>} : memref<128x128xf32, #tpu.memory_space<vmem>>, vector<1x16xf32>,
      %broadcast_in_dim3A_75 = arith.constant 1.000000e+00 : f32
      %broadcast_in_dim3A_76 = vector.broadcast %broadcast_in_dim3A_75 : f32 to vector<16xf32>
      %swap3A_77 = arith.index_cast %add3A_27 : i32 to index
      %swap3A_78 = arith.constant 112 : index
      %swap3A_79 = tpu.vector_load %arg5[%swap3A_77, %swap3A_78] {strides = array<i32>} : memref<128x128xf32, #tpu.memory_space<vmem>>, vector<1x16xf32>,
      %swap3A_80 = vector.shape_cast %swap3A_79 : vector<1x16xf32> to vector<16xf32>
      %swap3A_81 = vector.shape_cast %broadcast_in_dim3A_76 : vector<16xf32> to vector<1x16xf32>
      tpu.vector_store %arg5[%swap3A_77, %swap3A_78], %swap3A_81 {strides = array<i32>} : memref<128x128xf32, #tpu.memory_space<vmem>>, vector<1x16xf32>,
    }
    %scan3A_13 = arith.constant 128 : i32
    "tpu.region"() ({
      %run_scoped3A = tpu.sem_alloc : memref<!tpu.dma_semaphore, #tpu.memory_space<semaphore_mem>>
      %dma_start3A = arith.constant 0 : i32
      %dma_start3A_25 = arith.constant 0 : i32
      %dma_start3A_26 = tpu.memref_slice %arg2[%arg0, %arg1, %dma_start3A, %dma_start3A_25] : memref<2x16x79x128xi32, #tpu.memory_space<hbm>> -> memref<1x1x79x128xi32, #tpu.memory_space<hbm>>
      %dma_start3A_27 = tpu.memref_squeeze %dma_start3A_26 : memref<1x1x79x128xi32, #tpu.memory_space<hbm>> -> memref<79x128xi32, #tpu.memory_space<hbm>>
      %dma_start3A_28 = arith.constant 0 : i32
      %dma_start3A_29 = arith.constant 0 : i32
      %dma_start3A_30 = tpu.memref_slice %arg2[%arg0, %arg1, %dma_start3A_28, %dma_start3A_29] : memref<2x16x79x128xi32, #tpu.memory_space<hbm>> -> memref<1x1x79x128xi32, #tpu.memory_space<hbm>>
      %dma_start3A_31 = tpu.memref_squeeze %dma_start3A_30 : memref<1x1x79x128xi32, #tpu.memory_space<hbm>> -> memref<79x128xi32, #tpu.memory_space<hbm>>
      tpu.enqueue_dma source(%dma_start3A_31 : memref<79x128xi32, #tpu.memory_space<hbm>>) target(%arg4 : memref<79x128xi32, #tpu.memory_space<vmem>>) target_semaphore(%run_scoped3A : memref<!tpu.dma_semaphore, #tpu.memory_space<semaphore_mem>>)
      %dma_wait3A = arith.constant 0 : i32
      %dma_wait3A_32 = arith.constant 0 : i32
      %dma_wait3A_33 = tpu.memref_slice %arg2[%arg0, %arg1, %dma_wait3A, %dma_wait3A_32] : memref<2x16x79x128xi32, #tpu.memory_space<hbm>> -> memref<1x1x79x128xi32, #tpu.memory_space<hbm>>
      %dma_wait3A_34 = tpu.memref_squeeze %dma_wait3A_33 : memref<1x1x79x128xi32, #tpu.memory_space<hbm>> -> memref<79x128xi32, #tpu.memory_space<hbm>>
      %dma_wait3A_35 = arith.constant 0 : i32
      %dma_wait3A_36 = arith.constant 0 : i32
      %dma_wait3A_37 = tpu.memref_slice %arg2[%arg0, %arg1, %dma_wait3A_35, %dma_wait3A_36] : memref<2x16x79x128xi32, #tpu.memory_space<hbm>> -> memref<1x1x79x128xi32, #tpu.memory_space<hbm>>
      %dma_wait3A_38 = tpu.memref_squeeze %dma_wait3A_37 : memref<1x1x79x128xi32, #tpu.memory_space<hbm>> -> memref<79x128xi32, #tpu.memory_space<hbm>>
      tpu.wait_dma2 semaphore(%run_scoped3A : memref<!tpu.dma_semaphore, #tpu.memory_space<semaphore_mem>>) src(%dma_wait3A_38 : memref<79x128xi32, #tpu.memory_space<hbm>>) dst(%arg4 : memref<79x128xi32, #tpu.memory_space<vmem>>)
      tpu.yield
    }) : () -> ()
    %barrier3A = arith.constant 0 : index
    tpu.barrier barrier_id(%barrier3A)
    %scan3A_14 = arith.constant 0 : i32
    %scan3A_15 = arith.constant 79 : i32
    %scan3A_16 = arith.addi %scan3A_14, %scan3A_15 : i32
    %scan3A_17 = arith.constant 1 : i32
    scf.for %scan3A_25 = %scan3A_14 to %scan3A_16 step %scan3A_17  : i32 {
      %mul3A = arith.constant 1 : i32
      %mul3A_26 = arith.muli %scan3A_25, %mul3A : i32
      %add3A = arith.constant 0 : i32
      %add3A_27 = arith.addi %add3A, %mul3A_26 : i32
      "tpu.region"() ({
        %run_scoped3A = tpu.sem_alloc : memref<!tpu.dma_semaphore, #tpu.memory_space<semaphore_mem>>
        %dma_start3A = arith.constant 0 : i32
        %dma_start3A_28 = tpu.memref_slice %arg4[%add3A_27, %dma_start3A] : memref<79x128xi32, #tpu.memory_space<vmem>> -> memref<1x128xi32, #tpu.memory_space<vmem>>
        %dma_start3A_29 = tpu.memref_squeeze %dma_start3A_28 : memref<1x128xi32, #tpu.memory_space<vmem>> -> memref<128xi32, #tpu.memory_space<vmem>>
        %dma_start3A_30 = arith.constant 0 : i32
        %dma_start3A_31 = arith.constant 0 : i32
        %dma_start3A_32 = tpu.memref_slice %arg6[%dma_start3A_30, %dma_start3A_31] : memref<10240x128xf32, #tpu.memory_space<vmem_shared>> -> memref<10240x128xf32, #tpu.memory_space<vmem_shared>>
        tpu.enqueue_indirect_dma source(%arg5 : memref<128x128xf32, #tpu.memory_space<vmem>>) target(%dma_start3A_32 : memref<10240x128xf32, #tpu.memory_space<vmem_shared>>) offsets(%dma_start3A_29 : memref<128xi32, #tpu.memory_space<vmem>>) semaphore(%run_scoped3A : memref<!tpu.dma_semaphore, #tpu.memory_space<semaphore_mem>>) {add = true}
        %dma_wait3A = arith.constant 0 : i32
        %dma_wait3A_33 = tpu.memref_slice %arg4[%add3A_27, %dma_wait3A] : memref<79x128xi32, #tpu.memory_space<vmem>> -> memref<1x128xi32, #tpu.memory_space<vmem>>
        %dma_wait3A_34 = tpu.memref_squeeze %dma_wait3A_33 : memref<1x128xi32, #tpu.memory_space<vmem>> -> memref<128xi32, #tpu.memory_space<vmem>>
        %dma_wait3A_35 = arith.constant 0 : i32
        %dma_wait3A_36 = arith.constant 0 : i32
        %dma_wait3A_37 = tpu.memref_slice %arg6[%dma_wait3A_35, %dma_wait3A_36] : memref<10240x128xf32, #tpu.memory_space<vmem_shared>> -> memref<10240x128xf32, #tpu.memory_space<vmem_shared>>
        tpu.wait_indirect_dma semaphore(%run_scoped3A : memref<!tpu.dma_semaphore, #tpu.memory_space<semaphore_mem>>) src(%arg5 : memref<128x128xf32, #tpu.memory_space<vmem>>) dst(%dma_wait3A_37 : memref<10240x128xf32, #tpu.memory_space<vmem_shared>>)
        tpu.yield
      }) : () -> ()
    }
    %scan3A_18 = arith.constant 79 : i32
    %barrier3A_19 = arith.constant 0 : index
    tpu.barrier barrier_id(%barrier3A_19)
    %scan3A_20 = arith.constant 0 : i32
    %scan3A_21 = arith.constant 5 : i32
    %scan3A_22 = arith.addi %scan3A_20, %scan3A_21 : i32
    %scan3A_23 = arith.constant 1 : i32
    scf.for %scan3A_25 = %scan3A_20 to %scan3A_22 step %scan3A_23  : i32 {
      %mul3A = arith.constant 1 : i32
      %mul3A_26 = arith.muli %scan3A_25, %mul3A : i32
      %add3A = arith.constant 0 : i32
      %add3A_27 = arith.addi %add3A, %mul3A_26 : i32
      %mul3A_28 = arith.constant 640 : i32
      %mul3A_29 = arith.muli %arg1, %mul3A_28 : i32
      %mul3A_30 = arith.constant 128 : i32
      %mul3A_31 = arith.muli %add3A_27, %mul3A_30 : i32
      %add3A_32 = arith.addi %mul3A_29, %mul3A_31 : i32
      "tpu.region"() ({
        %run_scoped3A = tpu.sem_alloc : memref<!tpu.dma_semaphore, #tpu.memory_space<semaphore_mem>>
        %dma_start3A = arith.constant 0 : i32
        %dma_start3A_33 = tpu.memref_slice %arg3[%arg0, %add3A_32, %dma_start3A] : memref<2x10240x128xf32, #tpu.memory_space<hbm>> -> memref<1x128x128xf32, #tpu.memory_space<hbm>>
        %dma_start3A_34 = tpu.memref_squeeze %dma_start3A_33 : memref<1x128x128xf32, #tpu.memory_space<hbm>> -> memref<128x128xf32, #tpu.memory_space<hbm>>
        %dma_start3A_35 = arith.constant 0 : i32
        %dma_start3A_36 = tpu.memref_slice %arg6[%add3A_32, %dma_start3A_35] : memref<10240x128xf32, #tpu.memory_space<vmem_shared>> -> memref<128x128xf32, #tpu.memory_space<vmem_shared>>
        tpu.enqueue_dma source(%dma_start3A_36 : memref<128x128xf32, #tpu.memory_space<vmem_shared>>) target(%dma_start3A_34 : memref<128x128xf32, #tpu.memory_space<hbm>>) target_semaphore(%run_scoped3A : memref<!tpu.dma_semaphore, #tpu.memory_space<semaphore_mem>>)
        %dma_wait3A = arith.constant 0 : i32
        %dma_wait3A_37 = tpu.memref_slice %arg3[%arg0, %add3A_32, %dma_wait3A] : memref<2x10240x128xf32, #tpu.memory_space<hbm>> -> memref<1x128x128xf32, #tpu.memory_space<hbm>>
        %dma_wait3A_38 = tpu.memref_squeeze %dma_wait3A_37 : memref<1x128x128xf32, #tpu.memory_space<hbm>> -> memref<128x128xf32, #tpu.memory_space<hbm>>
        %dma_wait3A_39 = arith.constant 0 : i32
        %dma_wait3A_40 = tpu.memref_slice %arg6[%add3A_32, %dma_wait3A_39] : memref<10240x128xf32, #tpu.memory_space<vmem_shared>> -> memref<128x128xf32, #tpu.memory_space<vmem_shared>>
        tpu.wait_dma2 semaphore(%run_scoped3A : memref<!tpu.dma_semaphore, #tpu.memory_space<semaphore_mem>>) src(%dma_wait3A_40 : memref<128x128xf32, #tpu.memory_space<vmem_shared>>) dst(%dma_wait3A_38 : memref<128x128xf32, #tpu.memory_space<hbm>>)
        tpu.yield
      }) : () -> ()
    }
    %scan3A_24 = arith.constant 5 : i32
    return
  }
}

#map = affine_map<(d0, d1) -> (0, 0)>
#map1 = affine_map<(d0, d1) -> (0, 0, 0, 0)>
#map2 = affine_map<(d0, d1) -> (0, 0, 0)>
module attributes {stable_mosaic.version = 14 : i64} {
  func.func @k(%arg0: i32, %arg1: i32, %arg2: memref<10000x128xf32, #tpu.memory_space<hbm>>, %arg3: memref<2x16x79x128xi32, #tpu.memory_space<hbm>>, %arg4: memref<2x16x79x128xi32, #tpu.memory_space<hbm>>, %arg5: memref<2x10240x128xf32, #tpu.memory_space<hbm>>, %arg6: memref<79x128xi32, #tpu.memory_space<vmem>>, %arg7: memref<79x128xi32, #tpu.memory_space<vmem>>, %arg8: memref<128x128xf32, #tpu.memory_space<vmem>>, %arg9: memref<10240x128xf32, #tpu.memory_space<vmem_shared>>, %arg10: memref<!tpu.dma_semaphore, #tpu.memory_space<semaphore_mem>>) attributes {dimension_semantics = [#tpu.dimension_semantics<core_parallel>, #tpu.dimension_semantics<subcore_parallel>], iteration_bounds = array<i64: 2, 16>, scalar_prefetch = 0 : i64, scratch_operands = 5 : i64, tpu.core_type = #tpu.core_type<sc_vector_subcore>, window_params = [{transform_indices = #map}, {transform_indices = #map1}, {transform_indices = #map1}, {transform_indices = #map2}]} {
    %scan3A = arith.constant 0 : i32
    %scan3A_0 = arith.constant 128 : i32
    %scan3A_1 = arith.addi %scan3A, %scan3A_0 : i32
    %scan3A_2 = arith.constant 1 : i32
    scf.for %scan3A_20 = %scan3A to %scan3A_1 step %scan3A_2  : i32 {
      %mul3A = arith.constant 1 : i32
      %mul3A_21 = arith.muli %scan3A_20, %mul3A : i32
      %add3A = arith.constant 0 : i32
      %add3A_22 = arith.addi %add3A, %mul3A_21 : i32
      %broadcast_in_dim3A = arith.constant 0.000000e+00 : f32
      %broadcast_in_dim3A_23 = vector.broadcast %broadcast_in_dim3A : f32 to vector<16xf32>
      %swap3A = arith.index_cast %add3A_22 : i32 to index
      %swap3A_24 = arith.constant 0 : index
      %swap3A_25 = tpu.vector_load %arg8[%swap3A, %swap3A_24] {strides = array<i32>} : memref<128x128xf32, #tpu.memory_space<vmem>>, vector<1x16xf32>,
      %swap3A_26 = vector.shape_cast %swap3A_25 : vector<1x16xf32> to vector<16xf32>
      %swap3A_27 = vector.shape_cast %broadcast_in_dim3A_23 : vector<16xf32> to vector<1x16xf32>
      tpu.vector_store %arg8[%swap3A, %swap3A_24], %swap3A_27 {strides = array<i32>} : memref<128x128xf32, #tpu.memory_space<vmem>>, vector<1x16xf32>,
      %broadcast_in_dim3A_28 = arith.constant 0.000000e+00 : f32
      %broadcast_in_dim3A_29 = vector.broadcast %broadcast_in_dim3A_28 : f32 to vector<16xf32>
      %swap3A_30 = arith.index_cast %add3A_22 : i32 to index
      %swap3A_31 = arith.constant 16 : index
      %swap3A_32 = tpu.vector_load %arg8[%swap3A_30, %swap3A_31] {strides = array<i32>} : memref<128x128xf32, #tpu.memory_space<vmem>>, vector<1x16xf32>,
      %swap3A_33 = vector.shape_cast %swap3A_32 : vector<1x16xf32> to vector<16xf32>
      %swap3A_34 = vector.shape_cast %broadcast_in_dim3A_29 : vector<16xf32> to vector<1x16xf32>
      tpu.vector_store %arg8[%swap3A_30, %swap3A_31], %swap3A_34 {strides = array<i32>} : memref<128x128xf32, #tpu.memory_space<vmem>>, vector<1x16xf32>,
      %broadcast_in_dim3A_35 = arith.constant 0.000000e+00 : f32
      %broadcast_in_dim3A_36 = vector.broadcast %broadcast_in_dim3A_35 : f32 to vector<16xf32>
      %swap3A_37 = arith.index_cast %add3A_22 : i32 to index
      %swap3A_38 = arith.constant 32 : index
      %swap3A_39 = tpu.vector_load %arg8[%swap3A_37, %swap3A_38] {strides = array<i32>} : memref<128x128xf32, #tpu.memory_space<vmem>>, vector<1x16xf32>,
      %swap3A_40 = vector.shape_cast %swap3A_39 : vector<1x16xf32> to vector<16xf32>
      %swap3A_41 = vector.shape_cast %broadcast_in_dim3A_36 : vector<16xf32> to vector<1x16xf32>
      tpu.vector_store %arg8[%swap3A_37, %swap3A_38], %swap3A_41 {strides = array<i32>} : memref<128x128xf32, #tpu.memory_space<vmem>>, vector<1x16xf32>,
      %broadcast_in_dim3A_42 = arith.constant 0.000000e+00 : f32
      %broadcast_in_dim3A_43 = vector.broadcast %broadcast_in_dim3A_42 : f32 to vector<16xf32>
      %swap3A_44 = arith.index_cast %add3A_22 : i32 to index
      %swap3A_45 = arith.constant 48 : index
      %swap3A_46 = tpu.vector_load %arg8[%swap3A_44, %swap3A_45] {strides = array<i32>} : memref<128x128xf32, #tpu.memory_space<vmem>>, vector<1x16xf32>,
      %swap3A_47 = vector.shape_cast %swap3A_46 : vector<1x16xf32> to vector<16xf32>
      %swap3A_48 = vector.shape_cast %broadcast_in_dim3A_43 : vector<16xf32> to vector<1x16xf32>
      tpu.vector_store %arg8[%swap3A_44, %swap3A_45], %swap3A_48 {strides = array<i32>} : memref<128x128xf32, #tpu.memory_space<vmem>>, vector<1x16xf32>,
      %broadcast_in_dim3A_49 = arith.constant 0.000000e+00 : f32
      %broadcast_in_dim3A_50 = vector.broadcast %broadcast_in_dim3A_49 : f32 to vector<16xf32>
      %swap3A_51 = arith.index_cast %add3A_22 : i32 to index
      %swap3A_52 = arith.constant 64 : index
      %swap3A_53 = tpu.vector_load %arg8[%swap3A_51, %swap3A_52] {strides = array<i32>} : memref<128x128xf32, #tpu.memory_space<vmem>>, vector<1x16xf32>,
      %swap3A_54 = vector.shape_cast %swap3A_53 : vector<1x16xf32> to vector<16xf32>
      %swap3A_55 = vector.shape_cast %broadcast_in_dim3A_50 : vector<16xf32> to vector<1x16xf32>
      tpu.vector_store %arg8[%swap3A_51, %swap3A_52], %swap3A_55 {strides = array<i32>} : memref<128x128xf32, #tpu.memory_space<vmem>>, vector<1x16xf32>,
      %broadcast_in_dim3A_56 = arith.constant 0.000000e+00 : f32
      %broadcast_in_dim3A_57 = vector.broadcast %broadcast_in_dim3A_56 : f32 to vector<16xf32>
      %swap3A_58 = arith.index_cast %add3A_22 : i32 to index
      %swap3A_59 = arith.constant 80 : index
      %swap3A_60 = tpu.vector_load %arg8[%swap3A_58, %swap3A_59] {strides = array<i32>} : memref<128x128xf32, #tpu.memory_space<vmem>>, vector<1x16xf32>,
      %swap3A_61 = vector.shape_cast %swap3A_60 : vector<1x16xf32> to vector<16xf32>
      %swap3A_62 = vector.shape_cast %broadcast_in_dim3A_57 : vector<16xf32> to vector<1x16xf32>
      tpu.vector_store %arg8[%swap3A_58, %swap3A_59], %swap3A_62 {strides = array<i32>} : memref<128x128xf32, #tpu.memory_space<vmem>>, vector<1x16xf32>,
      %broadcast_in_dim3A_63 = arith.constant 0.000000e+00 : f32
      %broadcast_in_dim3A_64 = vector.broadcast %broadcast_in_dim3A_63 : f32 to vector<16xf32>
      %swap3A_65 = arith.index_cast %add3A_22 : i32 to index
      %swap3A_66 = arith.constant 96 : index
      %swap3A_67 = tpu.vector_load %arg8[%swap3A_65, %swap3A_66] {strides = array<i32>} : memref<128x128xf32, #tpu.memory_space<vmem>>, vector<1x16xf32>,
      %swap3A_68 = vector.shape_cast %swap3A_67 : vector<1x16xf32> to vector<16xf32>
      %swap3A_69 = vector.shape_cast %broadcast_in_dim3A_64 : vector<16xf32> to vector<1x16xf32>
      tpu.vector_store %arg8[%swap3A_65, %swap3A_66], %swap3A_69 {strides = array<i32>} : memref<128x128xf32, #tpu.memory_space<vmem>>, vector<1x16xf32>,
      %broadcast_in_dim3A_70 = arith.constant 0.000000e+00 : f32
      %broadcast_in_dim3A_71 = vector.broadcast %broadcast_in_dim3A_70 : f32 to vector<16xf32>
      %swap3A_72 = arith.index_cast %add3A_22 : i32 to index
      %swap3A_73 = arith.constant 112 : index
      %swap3A_74 = tpu.vector_load %arg8[%swap3A_72, %swap3A_73] {strides = array<i32>} : memref<128x128xf32, #tpu.memory_space<vmem>>, vector<1x16xf32>,
      %swap3A_75 = vector.shape_cast %swap3A_74 : vector<1x16xf32> to vector<16xf32>
      %swap3A_76 = vector.shape_cast %broadcast_in_dim3A_71 : vector<16xf32> to vector<1x16xf32>
      tpu.vector_store %arg8[%swap3A_72, %swap3A_73], %swap3A_76 {strides = array<i32>} : memref<128x128xf32, #tpu.memory_space<vmem>>, vector<1x16xf32>,
    }
    %scan3A_3 = arith.constant 128 : i32
    %scan3A_4 = arith.constant 0 : i32
    %scan3A_5 = arith.constant 5 : i32
    %scan3A_6 = arith.addi %scan3A_4, %scan3A_5 : i32
    %scan3A_7 = arith.constant 1 : i32
    scf.for %scan3A_20 = %scan3A_4 to %scan3A_6 step %scan3A_7  : i32 {
      %mul3A = arith.constant 1 : i32
      %mul3A_21 = arith.muli %scan3A_20, %mul3A : i32
      %add3A = arith.constant 0 : i32
      %add3A_22 = arith.addi %add3A, %mul3A_21 : i32
      %mul3A_23 = arith.constant 640 : i32
      %mul3A_24 = arith.muli %arg1, %mul3A_23 : i32
      %mul3A_25 = arith.constant 128 : i32
      %mul3A_26 = arith.muli %add3A_22, %mul3A_25 : i32
      %add3A_27 = arith.addi %mul3A_24, %mul3A_26 : i32
      "tpu.region"() ({
        %run_scoped3A = tpu.sem_alloc : memref<!tpu.dma_semaphore, #tpu.memory_space<semaphore_mem>>
        %dma_start3A = arith.constant 0 : i32
        %dma_start3A_28 = tpu.memref_slice %arg9[%add3A_27, %dma_start3A] : memref<10240x128xf32, #tpu.memory_space<vmem_shared>> -> memref<128x128xf32, #tpu.memory_space<vmem_shared>>
        %dma_start3A_29 = arith.constant 0 : i32
        %dma_start3A_30 = tpu.memref_slice %arg9[%add3A_27, %dma_start3A_29] : memref<10240x128xf32, #tpu.memory_space<vmem_shared>> -> memref<128x128xf32, #tpu.memory_space<vmem_shared>>
        tpu.enqueue_dma source(%arg8 : memref<128x128xf32, #tpu.memory_space<vmem>>) target(%dma_start3A_30 : memref<128x128xf32, #tpu.memory_space<vmem_shared>>) target_semaphore(%run_scoped3A : memref<!tpu.dma_semaphore, #tpu.memory_space<semaphore_mem>>)
        %dma_wait3A = arith.constant 0 : i32
        %dma_wait3A_31 = tpu.memref_slice %arg9[%add3A_27, %dma_wait3A] : memref<10240x128xf32, #tpu.memory_space<vmem_shared>> -> memref<128x128xf32, #tpu.memory_space<vmem_shared>>
        %dma_wait3A_32 = arith.constant 0 : i32
        %dma_wait3A_33 = tpu.memref_slice %arg9[%add3A_27, %dma_wait3A_32] : memref<10240x128xf32, #tpu.memory_space<vmem_shared>> -> memref<128x128xf32, #tpu.memory_space<vmem_shared>>
        tpu.wait_dma2 semaphore(%run_scoped3A : memref<!tpu.dma_semaphore, #tpu.memory_space<semaphore_mem>>) src(%arg8 : memref<128x128xf32, #tpu.memory_space<vmem>>) dst(%dma_wait3A_33 : memref<128x128xf32, #tpu.memory_space<vmem_shared>>)
        tpu.yield
      }) : () -> ()
    }
    %scan3A_8 = arith.constant 5 : i32
    "tpu.region"() ({
      %run_scoped3A = tpu.sem_alloc : memref<!tpu.dma_semaphore, #tpu.memory_space<semaphore_mem>>
      %dma_start3A = arith.constant 0 : i32
      %dma_start3A_20 = arith.constant 0 : i32
      %dma_start3A_21 = tpu.memref_slice %arg3[%arg0, %arg1, %dma_start3A, %dma_start3A_20] : memref<2x16x79x128xi32, #tpu.memory_space<hbm>> -> memref<1x1x79x128xi32, #tpu.memory_space<hbm>>
      %dma_start3A_22 = tpu.memref_squeeze %dma_start3A_21 : memref<1x1x79x128xi32, #tpu.memory_space<hbm>> -> memref<79x128xi32, #tpu.memory_space<hbm>>
      %dma_start3A_23 = arith.constant 0 : i32
      %dma_start3A_24 = arith.constant 0 : i32
      %dma_start3A_25 = tpu.memref_slice %arg3[%arg0, %arg1, %dma_start3A_23, %dma_start3A_24] : memref<2x16x79x128xi32, #tpu.memory_space<hbm>> -> memref<1x1x79x128xi32, #tpu.memory_space<hbm>>
      %dma_start3A_26 = tpu.memref_squeeze %dma_start3A_25 : memref<1x1x79x128xi32, #tpu.memory_space<hbm>> -> memref<79x128xi32, #tpu.memory_space<hbm>>
      tpu.enqueue_dma source(%dma_start3A_26 : memref<79x128xi32, #tpu.memory_space<hbm>>) target(%arg6 : memref<79x128xi32, #tpu.memory_space<vmem>>) target_semaphore(%run_scoped3A : memref<!tpu.dma_semaphore, #tpu.memory_space<semaphore_mem>>)
      %dma_wait3A = arith.constant 0 : i32
      %dma_wait3A_27 = arith.constant 0 : i32
      %dma_wait3A_28 = tpu.memref_slice %arg3[%arg0, %arg1, %dma_wait3A, %dma_wait3A_27] : memref<2x16x79x128xi32, #tpu.memory_space<hbm>> -> memref<1x1x79x128xi32, #tpu.memory_space<hbm>>
      %dma_wait3A_29 = tpu.memref_squeeze %dma_wait3A_28 : memref<1x1x79x128xi32, #tpu.memory_space<hbm>> -> memref<79x128xi32, #tpu.memory_space<hbm>>
      %dma_wait3A_30 = arith.constant 0 : i32
      %dma_wait3A_31 = arith.constant 0 : i32
      %dma_wait3A_32 = tpu.memref_slice %arg3[%arg0, %arg1, %dma_wait3A_30, %dma_wait3A_31] : memref<2x16x79x128xi32, #tpu.memory_space<hbm>> -> memref<1x1x79x128xi32, #tpu.memory_space<hbm>>
      %dma_wait3A_33 = tpu.memref_squeeze %dma_wait3A_32 : memref<1x1x79x128xi32, #tpu.memory_space<hbm>> -> memref<79x128xi32, #tpu.memory_space<hbm>>
      tpu.wait_dma2 semaphore(%run_scoped3A : memref<!tpu.dma_semaphore, #tpu.memory_space<semaphore_mem>>) src(%dma_wait3A_33 : memref<79x128xi32, #tpu.memory_space<hbm>>) dst(%arg6 : memref<79x128xi32, #tpu.memory_space<vmem>>)
      tpu.yield
    }) : () -> ()
    "tpu.region"() ({
      %run_scoped3A = tpu.sem_alloc : memref<!tpu.dma_semaphore, #tpu.memory_space<semaphore_mem>>
      %dma_start3A = arith.constant 0 : i32
      %dma_start3A_20 = arith.constant 0 : i32
      %dma_start3A_21 = tpu.memref_slice %arg4[%arg0, %arg1, %dma_start3A, %dma_start3A_20] : memref<2x16x79x128xi32, #tpu.memory_space<hbm>> -> memref<1x1x79x128xi32, #tpu.memory_space<hbm>>
      %dma_start3A_22 = tpu.memref_squeeze %dma_start3A_21 : memref<1x1x79x128xi32, #tpu.memory_space<hbm>> -> memref<79x128xi32, #tpu.memory_space<hbm>>
      %dma_start3A_23 = arith.constant 0 : i32
      %dma_start3A_24 = arith.constant 0 : i32
      %dma_start3A_25 = tpu.memref_slice %arg4[%arg0, %arg1, %dma_start3A_23, %dma_start3A_24] : memref<2x16x79x128xi32, #tpu.memory_space<hbm>> -> memref<1x1x79x128xi32, #tpu.memory_space<hbm>>
      %dma_start3A_26 = tpu.memref_squeeze %dma_start3A_25 : memref<1x1x79x128xi32, #tpu.memory_space<hbm>> -> memref<79x128xi32, #tpu.memory_space<hbm>>
      tpu.enqueue_dma source(%dma_start3A_26 : memref<79x128xi32, #tpu.memory_space<hbm>>) target(%arg7 : memref<79x128xi32, #tpu.memory_space<vmem>>) target_semaphore(%run_scoped3A : memref<!tpu.dma_semaphore, #tpu.memory_space<semaphore_mem>>)
      %dma_wait3A = arith.constant 0 : i32
      %dma_wait3A_27 = arith.constant 0 : i32
      %dma_wait3A_28 = tpu.memref_slice %arg4[%arg0, %arg1, %dma_wait3A, %dma_wait3A_27] : memref<2x16x79x128xi32, #tpu.memory_space<hbm>> -> memref<1x1x79x128xi32, #tpu.memory_space<hbm>>
      %dma_wait3A_29 = tpu.memref_squeeze %dma_wait3A_28 : memref<1x1x79x128xi32, #tpu.memory_space<hbm>> -> memref<79x128xi32, #tpu.memory_space<hbm>>
      %dma_wait3A_30 = arith.constant 0 : i32
      %dma_wait3A_31 = arith.constant 0 : i32
      %dma_wait3A_32 = tpu.memref_slice %arg4[%arg0, %arg1, %dma_wait3A_30, %dma_wait3A_31] : memref<2x16x79x128xi32, #tpu.memory_space<hbm>> -> memref<1x1x79x128xi32, #tpu.memory_space<hbm>>
      %dma_wait3A_33 = tpu.memref_squeeze %dma_wait3A_32 : memref<1x1x79x128xi32, #tpu.memory_space<hbm>> -> memref<79x128xi32, #tpu.memory_space<hbm>>
      tpu.wait_dma2 semaphore(%run_scoped3A : memref<!tpu.dma_semaphore, #tpu.memory_space<semaphore_mem>>) src(%dma_wait3A_33 : memref<79x128xi32, #tpu.memory_space<hbm>>) dst(%arg7 : memref<79x128xi32, #tpu.memory_space<vmem>>)
      tpu.yield
    }) : () -> ()
    %barrier3A = arith.constant 0 : index
    tpu.barrier barrier_id(%barrier3A)
    %scan3A_9 = arith.constant 0 : i32
    %scan3A_10 = arith.constant 79 : i32
    %scan3A_11 = arith.addi %scan3A_9, %scan3A_10 : i32
    %scan3A_12 = arith.constant 1 : i32
    scf.for %scan3A_20 = %scan3A_9 to %scan3A_11 step %scan3A_12  : i32 {
      %mul3A = arith.constant 1 : i32
      %mul3A_21 = arith.muli %scan3A_20, %mul3A : i32
      %add3A = arith.constant 0 : i32
      %add3A_22 = arith.addi %add3A, %mul3A_21 : i32
      %dma_start3A = arith.constant 0 : i32
      %dma_start3A_23 = tpu.memref_slice %arg6[%add3A_22, %dma_start3A] : memref<79x128xi32, #tpu.memory_space<vmem>> -> memref<1x128xi32, #tpu.memory_space<vmem>>
      %dma_start3A_24 = tpu.memref_squeeze %dma_start3A_23 : memref<1x128xi32, #tpu.memory_space<vmem>> -> memref<128xi32, #tpu.memory_space<vmem>>
      %dma_start3A_25 = arith.constant 0 : i32
      %dma_start3A_26 = arith.constant 0 : i32
      %dma_start3A_27 = tpu.memref_slice %arg2[%dma_start3A_25, %dma_start3A_26] : memref<10000x128xf32, #tpu.memory_space<hbm>> -> memref<10000x128xf32, #tpu.memory_space<hbm>>
      tpu.enqueue_indirect_dma source(%dma_start3A_27 : memref<10000x128xf32, #tpu.memory_space<hbm>>) target(%arg8 : memref<128x128xf32, #tpu.memory_space<vmem>>) offsets(%dma_start3A_24 : memref<128xi32, #tpu.memory_space<vmem>>) semaphore(%arg10 : memref<!tpu.dma_semaphore, #tpu.memory_space<semaphore_mem>>)
      %dma_wait3A = arith.constant 0 : i32
      %dma_wait3A_28 = tpu.memref_slice %arg6[%add3A_22, %dma_wait3A] : memref<79x128xi32, #tpu.memory_space<vmem>> -> memref<1x128xi32, #tpu.memory_space<vmem>>
      %dma_wait3A_29 = tpu.memref_squeeze %dma_wait3A_28 : memref<1x128xi32, #tpu.memory_space<vmem>> -> memref<128xi32, #tpu.memory_space<vmem>>
      %dma_wait3A_30 = arith.constant 0 : i32
      %dma_wait3A_31 = arith.constant 0 : i32
      %dma_wait3A_32 = tpu.memref_slice %arg2[%dma_wait3A_30, %dma_wait3A_31] : memref<10000x128xf32, #tpu.memory_space<hbm>> -> memref<10000x128xf32, #tpu.memory_space<hbm>>
      tpu.wait_indirect_dma semaphore(%arg10 : memref<!tpu.dma_semaphore, #tpu.memory_space<semaphore_mem>>) src(%dma_wait3A_32 : memref<10000x128xf32, #tpu.memory_space<hbm>>) dst(%arg8 : memref<128x128xf32, #tpu.memory_space<vmem>>)
      "tpu.region"() ({
        %run_scoped3A = tpu.sem_alloc : memref<!tpu.dma_semaphore, #tpu.memory_space<semaphore_mem>>
        %dma_start3A_33 = arith.constant 0 : i32
        %dma_start3A_34 = tpu.memref_slice %arg7[%add3A_22, %dma_start3A_33] : memref<79x128xi32, #tpu.memory_space<vmem>> -> memref<1x128xi32, #tpu.memory_space<vmem>>
        %dma_start3A_35 = tpu.memref_squeeze %dma_start3A_34 : memref<1x128xi32, #tpu.memory_space<vmem>> -> memref<128xi32, #tpu.memory_space<vmem>>
        %dma_start3A_36 = arith.constant 0 : i32
        %dma_start3A_37 = arith.constant 0 : i32
        %dma_start3A_38 = tpu.memref_slice %arg9[%dma_start3A_36, %dma_start3A_37] : memref<10240x128xf32, #tpu.memory_space<vmem_shared>> -> memref<10240x128xf32, #tpu.memory_space<vmem_shared>>
        tpu.enqueue_indirect_dma source(%arg8 : memref<128x128xf32, #tpu.memory_space<vmem>>) target(%dma_start3A_38 : memref<10240x128xf32, #tpu.memory_space<vmem_shared>>) offsets(%dma_start3A_35 : memref<128xi32, #tpu.memory_space<vmem>>) semaphore(%run_scoped3A : memref<!tpu.dma_semaphore, #tpu.memory_space<semaphore_mem>>) {add = true}
        %dma_wait3A_39 = arith.constant 0 : i32
        %dma_wait3A_40 = tpu.memref_slice %arg7[%add3A_22, %dma_wait3A_39] : memref<79x128xi32, #tpu.memory_space<vmem>> -> memref<1x128xi32, #tpu.memory_space<vmem>>
        %dma_wait3A_41 = tpu.memref_squeeze %dma_wait3A_40 : memref<1x128xi32, #tpu.memory_space<vmem>> -> memref<128xi32, #tpu.memory_space<vmem>>
        %dma_wait3A_42 = arith.constant 0 : i32
        %dma_wait3A_43 = arith.constant 0 : i32
        %dma_wait3A_44 = tpu.memref_slice %arg9[%dma_wait3A_42, %dma_wait3A_43] : memref<10240x128xf32, #tpu.memory_space<vmem_shared>> -> memref<10240x128xf32, #tpu.memory_space<vmem_shared>>
        tpu.wait_indirect_dma semaphore(%run_scoped3A : memref<!tpu.dma_semaphore, #tpu.memory_space<semaphore_mem>>) src(%arg8 : memref<128x128xf32, #tpu.memory_space<vmem>>) dst(%dma_wait3A_44 : memref<10240x128xf32, #tpu.memory_space<vmem_shared>>)
        tpu.yield
      }) : () -> ()
    }
    %scan3A_13 = arith.constant 79 : i32
    %barrier3A_14 = arith.constant 0 : index
    tpu.barrier barrier_id(%barrier3A_14)
    %scan3A_15 = arith.constant 0 : i32
    %scan3A_16 = arith.constant 5 : i32
    %scan3A_17 = arith.addi %scan3A_15, %scan3A_16 : i32
    %scan3A_18 = arith.constant 1 : i32
    scf.for %scan3A_20 = %scan3A_15 to %scan3A_17 step %scan3A_18  : i32 {
      %mul3A = arith.constant 1 : i32
      %mul3A_21 = arith.muli %scan3A_20, %mul3A : i32
      %add3A = arith.constant 0 : i32
      %add3A_22 = arith.addi %add3A, %mul3A_21 : i32
      %mul3A_23 = arith.constant 640 : i32
      %mul3A_24 = arith.muli %arg1, %mul3A_23 : i32
      %mul3A_25 = arith.constant 128 : i32
      %mul3A_26 = arith.muli %add3A_22, %mul3A_25 : i32
      %add3A_27 = arith.addi %mul3A_24, %mul3A_26 : i32
      "tpu.region"() ({
        %run_scoped3A = tpu.sem_alloc : memref<!tpu.dma_semaphore, #tpu.memory_space<semaphore_mem>>
        %dma_start3A = arith.constant 0 : i32
        %dma_start3A_28 = tpu.memref_slice %arg5[%arg0, %add3A_27, %dma_start3A] : memref<2x10240x128xf32, #tpu.memory_space<hbm>> -> memref<1x128x128xf32, #tpu.memory_space<hbm>>
        %dma_start3A_29 = tpu.memref_squeeze %dma_start3A_28 : memref<1x128x128xf32, #tpu.memory_space<hbm>> -> memref<128x128xf32, #tpu.memory_space<hbm>>
        %dma_start3A_30 = arith.constant 0 : i32
        %dma_start3A_31 = tpu.memref_slice %arg9[%add3A_27, %dma_start3A_30] : memref<10240x128xf32, #tpu.memory_space<vmem_shared>> -> memref<128x128xf32, #tpu.memory_space<vmem_shared>>
        tpu.enqueue_dma source(%dma_start3A_31 : memref<128x128xf32, #tpu.memory_space<vmem_shared>>) target(%dma_start3A_29 : memref<128x128xf32, #tpu.memory_space<hbm>>) target_semaphore(%run_scoped3A : memref<!tpu.dma_semaphore, #tpu.memory_space<semaphore_mem>>)
        %dma_wait3A = arith.constant 0 : i32
        %dma_wait3A_32 = tpu.memref_slice %arg5[%arg0, %add3A_27, %dma_wait3A] : memref<2x10240x128xf32, #tpu.memory_space<hbm>> -> memref<1x128x128xf32, #tpu.memory_space<hbm>>
        %dma_wait3A_33 = tpu.memref_squeeze %dma_wait3A_32 : memref<1x128x128xf32, #tpu.memory_space<hbm>> -> memref<128x128xf32, #tpu.memory_space<hbm>>
        %dma_wait3A_34 = arith.constant 0 : i32
        %dma_wait3A_35 = tpu.memref_slice %arg9[%add3A_27, %dma_wait3A_34] : memref<10240x128xf32, #tpu.memory_space<vmem_shared>> -> memref<128x128xf32, #tpu.memory_space<vmem_shared>>
        tpu.wait_dma2 semaphore(%run_scoped3A : memref<!tpu.dma_semaphore, #tpu.memory_space<semaphore_mem>>) src(%dma_wait3A_35 : memref<128x128xf32, #tpu.memory_space<vmem_shared>>) dst(%dma_wait3A_33 : memref<128x128xf32, #tpu.memory_space<hbm>>)
        tpu.yield
      }) : () -> ()
    }
    %scan3A_19 = arith.constant 5 : i32
    return
  }
}

#map = affine_map<(d0, d1) -> (0, 0)>
#map1 = affine_map<(d0, d1) -> (0, 0, 0, 0)>
#map2 = affine_map<(d0, d1) -> (0, 0, 0)>
module attributes {stable_mosaic.version = 14 : i64} {
  func.func @k(%arg0: i32, %arg1: i32, %arg2: memref<10000x128xf32, #tpu.memory_space<hbm>>, %arg3: memref<2x16x79x128xi32, #tpu.memory_space<hbm>>, %arg4: memref<2x16x79x128xi32, #tpu.memory_space<hbm>>, %arg5: memref<2x10240x128xf32, #tpu.memory_space<hbm>>, %arg6: memref<79x128xi32, #tpu.memory_space<vmem>>, %arg7: memref<79x128xi32, #tpu.memory_space<vmem>>, %arg8: memref<128x128xf32, #tpu.memory_space<vmem>>, %arg9: memref<10240x128xf32, #tpu.memory_space<vmem_shared>>, %arg10: memref<!tpu.dma_semaphore, #tpu.memory_space<semaphore_mem>>) attributes {dimension_semantics = [#tpu.dimension_semantics<core_parallel>, #tpu.dimension_semantics<subcore_parallel>], iteration_bounds = array<i64: 2, 16>, scalar_prefetch = 0 : i64, scratch_operands = 5 : i64, tpu.core_type = #tpu.core_type<sc_vector_subcore>, window_params = [{transform_indices = #map}, {transform_indices = #map1}, {transform_indices = #map1}, {transform_indices = #map2}]} {
    %scan3A = arith.constant 0 : i32
    %scan3A_0 = arith.constant 128 : i32
    %scan3A_1 = arith.addi %scan3A, %scan3A_0 : i32
    %scan3A_2 = arith.constant 1 : i32
    scf.for %scan3A_20 = %scan3A to %scan3A_1 step %scan3A_2  : i32 {
      %mul3A = arith.constant 1 : i32
      %mul3A_21 = arith.muli %scan3A_20, %mul3A : i32
      %add3A = arith.constant 0 : i32
      %add3A_22 = arith.addi %add3A, %mul3A_21 : i32
      %broadcast_in_dim3A = arith.constant 0.000000e+00 : f32
      %broadcast_in_dim3A_23 = vector.broadcast %broadcast_in_dim3A : f32 to vector<16xf32>
      %swap3A = arith.index_cast %add3A_22 : i32 to index
      %swap3A_24 = arith.constant 0 : index
      %swap3A_25 = tpu.vector_load %arg8[%swap3A, %swap3A_24] {strides = array<i32>} : memref<128x128xf32, #tpu.memory_space<vmem>>, vector<1x16xf32>,
      %swap3A_26 = vector.shape_cast %swap3A_25 : vector<1x16xf32> to vector<16xf32>
      %swap3A_27 = vector.shape_cast %broadcast_in_dim3A_23 : vector<16xf32> to vector<1x16xf32>
      tpu.vector_store %arg8[%swap3A, %swap3A_24], %swap3A_27 {strides = array<i32>} : memref<128x128xf32, #tpu.memory_space<vmem>>, vector<1x16xf32>,
      %broadcast_in_dim3A_28 = arith.constant 0.000000e+00 : f32
      %broadcast_in_dim3A_29 = vector.broadcast %broadcast_in_dim3A_28 : f32 to vector<16xf32>
      %swap3A_30 = arith.index_cast %add3A_22 : i32 to index
      %swap3A_31 = arith.constant 16 : index
      %swap3A_32 = tpu.vector_load %arg8[%swap3A_30, %swap3A_31] {strides = array<i32>} : memref<128x128xf32, #tpu.memory_space<vmem>>, vector<1x16xf32>,
      %swap3A_33 = vector.shape_cast %swap3A_32 : vector<1x16xf32> to vector<16xf32>
      %swap3A_34 = vector.shape_cast %broadcast_in_dim3A_29 : vector<16xf32> to vector<1x16xf32>
      tpu.vector_store %arg8[%swap3A_30, %swap3A_31], %swap3A_34 {strides = array<i32>} : memref<128x128xf32, #tpu.memory_space<vmem>>, vector<1x16xf32>,
      %broadcast_in_dim3A_35 = arith.constant 0.000000e+00 : f32
      %broadcast_in_dim3A_36 = vector.broadcast %broadcast_in_dim3A_35 : f32 to vector<16xf32>
      %swap3A_37 = arith.index_cast %add3A_22 : i32 to index
      %swap3A_38 = arith.constant 32 : index
      %swap3A_39 = tpu.vector_load %arg8[%swap3A_37, %swap3A_38] {strides = array<i32>} : memref<128x128xf32, #tpu.memory_space<vmem>>, vector<1x16xf32>,
      %swap3A_40 = vector.shape_cast %swap3A_39 : vector<1x16xf32> to vector<16xf32>
      %swap3A_41 = vector.shape_cast %broadcast_in_dim3A_36 : vector<16xf32> to vector<1x16xf32>
      tpu.vector_store %arg8[%swap3A_37, %swap3A_38], %swap3A_41 {strides = array<i32>} : memref<128x128xf32, #tpu.memory_space<vmem>>, vector<1x16xf32>,
      %broadcast_in_dim3A_42 = arith.constant 0.000000e+00 : f32
      %broadcast_in_dim3A_43 = vector.broadcast %broadcast_in_dim3A_42 : f32 to vector<16xf32>
      %swap3A_44 = arith.index_cast %add3A_22 : i32 to index
      %swap3A_45 = arith.constant 48 : index
      %swap3A_46 = tpu.vector_load %arg8[%swap3A_44, %swap3A_45] {strides = array<i32>} : memref<128x128xf32, #tpu.memory_space<vmem>>, vector<1x16xf32>,
      %swap3A_47 = vector.shape_cast %swap3A_46 : vector<1x16xf32> to vector<16xf32>
      %swap3A_48 = vector.shape_cast %broadcast_in_dim3A_43 : vector<16xf32> to vector<1x16xf32>
      tpu.vector_store %arg8[%swap3A_44, %swap3A_45], %swap3A_48 {strides = array<i32>} : memref<128x128xf32, #tpu.memory_space<vmem>>, vector<1x16xf32>,
      %broadcast_in_dim3A_49 = arith.constant 0.000000e+00 : f32
      %broadcast_in_dim3A_50 = vector.broadcast %broadcast_in_dim3A_49 : f32 to vector<16xf32>
      %swap3A_51 = arith.index_cast %add3A_22 : i32 to index
      %swap3A_52 = arith.constant 64 : index
      %swap3A_53 = tpu.vector_load %arg8[%swap3A_51, %swap3A_52] {strides = array<i32>} : memref<128x128xf32, #tpu.memory_space<vmem>>, vector<1x16xf32>,
      %swap3A_54 = vector.shape_cast %swap3A_53 : vector<1x16xf32> to vector<16xf32>
      %swap3A_55 = vector.shape_cast %broadcast_in_dim3A_50 : vector<16xf32> to vector<1x16xf32>
      tpu.vector_store %arg8[%swap3A_51, %swap3A_52], %swap3A_55 {strides = array<i32>} : memref<128x128xf32, #tpu.memory_space<vmem>>, vector<1x16xf32>,
      %broadcast_in_dim3A_56 = arith.constant 0.000000e+00 : f32
      %broadcast_in_dim3A_57 = vector.broadcast %broadcast_in_dim3A_56 : f32 to vector<16xf32>
      %swap3A_58 = arith.index_cast %add3A_22 : i32 to index
      %swap3A_59 = arith.constant 80 : index
      %swap3A_60 = tpu.vector_load %arg8[%swap3A_58, %swap3A_59] {strides = array<i32>} : memref<128x128xf32, #tpu.memory_space<vmem>>, vector<1x16xf32>,
      %swap3A_61 = vector.shape_cast %swap3A_60 : vector<1x16xf32> to vector<16xf32>
      %swap3A_62 = vector.shape_cast %broadcast_in_dim3A_57 : vector<16xf32> to vector<1x16xf32>
      tpu.vector_store %arg8[%swap3A_58, %swap3A_59], %swap3A_62 {strides = array<i32>} : memref<128x128xf32, #tpu.memory_space<vmem>>, vector<1x16xf32>,
      %broadcast_in_dim3A_63 = arith.constant 0.000000e+00 : f32
      %broadcast_in_dim3A_64 = vector.broadcast %broadcast_in_dim3A_63 : f32 to vector<16xf32>
      %swap3A_65 = arith.index_cast %add3A_22 : i32 to index
      %swap3A_66 = arith.constant 96 : index
      %swap3A_67 = tpu.vector_load %arg8[%swap3A_65, %swap3A_66] {strides = array<i32>} : memref<128x128xf32, #tpu.memory_space<vmem>>, vector<1x16xf32>,
      %swap3A_68 = vector.shape_cast %swap3A_67 : vector<1x16xf32> to vector<16xf32>
      %swap3A_69 = vector.shape_cast %broadcast_in_dim3A_64 : vector<16xf32> to vector<1x16xf32>
      tpu.vector_store %arg8[%swap3A_65, %swap3A_66], %swap3A_69 {strides = array<i32>} : memref<128x128xf32, #tpu.memory_space<vmem>>, vector<1x16xf32>,
      %broadcast_in_dim3A_70 = arith.constant 0.000000e+00 : f32
      %broadcast_in_dim3A_71 = vector.broadcast %broadcast_in_dim3A_70 : f32 to vector<16xf32>
      %swap3A_72 = arith.index_cast %add3A_22 : i32 to index
      %swap3A_73 = arith.constant 112 : index
      %swap3A_74 = tpu.vector_load %arg8[%swap3A_72, %swap3A_73] {strides = array<i32>} : memref<128x128xf32, #tpu.memory_space<vmem>>, vector<1x16xf32>,
      %swap3A_75 = vector.shape_cast %swap3A_74 : vector<1x16xf32> to vector<16xf32>
      %swap3A_76 = vector.shape_cast %broadcast_in_dim3A_71 : vector<16xf32> to vector<1x16xf32>
      tpu.vector_store %arg8[%swap3A_72, %swap3A_73], %swap3A_76 {strides = array<i32>} : memref<128x128xf32, #tpu.memory_space<vmem>>, vector<1x16xf32>,
    }
    %scan3A_3 = arith.constant 128 : i32
    %scan3A_4 = arith.constant 0 : i32
    %scan3A_5 = arith.constant 5 : i32
    %scan3A_6 = arith.addi %scan3A_4, %scan3A_5 : i32
    %scan3A_7 = arith.constant 1 : i32
    scf.for %scan3A_20 = %scan3A_4 to %scan3A_6 step %scan3A_7  : i32 {
      %mul3A = arith.constant 1 : i32
      %mul3A_21 = arith.muli %scan3A_20, %mul3A : i32
      %add3A = arith.constant 0 : i32
      %add3A_22 = arith.addi %add3A, %mul3A_21 : i32
      %mul3A_23 = arith.constant 640 : i32
      %mul3A_24 = arith.muli %arg1, %mul3A_23 : i32
      %mul3A_25 = arith.constant 128 : i32
      %mul3A_26 = arith.muli %add3A_22, %mul3A_25 : i32
      %add3A_27 = arith.addi %mul3A_24, %mul3A_26 : i32
      "tpu.region"() ({
        %run_scoped3A = tpu.sem_alloc : memref<!tpu.dma_semaphore, #tpu.memory_space<semaphore_mem>>
        %dma_start3A = arith.constant 0 : i32
        %dma_start3A_28 = tpu.memref_slice %arg9[%add3A_27, %dma_start3A] : memref<10240x128xf32, #tpu.memory_space<vmem_shared>> -> memref<128x128xf32, #tpu.memory_space<vmem_shared>>
        %dma_start3A_29 = arith.constant 0 : i32
        %dma_start3A_30 = tpu.memref_slice %arg9[%add3A_27, %dma_start3A_29] : memref<10240x128xf32, #tpu.memory_space<vmem_shared>> -> memref<128x128xf32, #tpu.memory_space<vmem_shared>>
        tpu.enqueue_dma source(%arg8 : memref<128x128xf32, #tpu.memory_space<vmem>>) target(%dma_start3A_30 : memref<128x128xf32, #tpu.memory_space<vmem_shared>>) target_semaphore(%run_scoped3A : memref<!tpu.dma_semaphore, #tpu.memory_space<semaphore_mem>>)
        %dma_wait3A = arith.constant 0 : i32
        %dma_wait3A_31 = tpu.memref_slice %arg9[%add3A_27, %dma_wait3A] : memref<10240x128xf32, #tpu.memory_space<vmem_shared>> -> memref<128x128xf32, #tpu.memory_space<vmem_shared>>
        %dma_wait3A_32 = arith.constant 0 : i32
        %dma_wait3A_33 = tpu.memref_slice %arg9[%add3A_27, %dma_wait3A_32] : memref<10240x128xf32, #tpu.memory_space<vmem_shared>> -> memref<128x128xf32, #tpu.memory_space<vmem_shared>>
        tpu.wait_dma2 semaphore(%run_scoped3A : memref<!tpu.dma_semaphore, #tpu.memory_space<semaphore_mem>>) src(%arg8 : memref<128x128xf32, #tpu.memory_space<vmem>>) dst(%dma_wait3A_33 : memref<128x128xf32, #tpu.memory_space<vmem_shared>>)
        tpu.yield
      }) : () -> ()
    }
    %scan3A_8 = arith.constant 5 : i32
    "tpu.region"() ({
      %run_scoped3A = tpu.sem_alloc : memref<!tpu.dma_semaphore, #tpu.memory_space<semaphore_mem>>
      %dma_start3A = arith.constant 0 : i32
      %dma_start3A_20 = arith.constant 0 : i32
      %dma_start3A_21 = tpu.memref_slice %arg3[%arg0, %arg1, %dma_start3A, %dma_start3A_20] : memref<2x16x79x128xi32, #tpu.memory_space<hbm>> -> memref<1x1x79x128xi32, #tpu.memory_space<hbm>>
      %dma_start3A_22 = tpu.memref_squeeze %dma_start3A_21 : memref<1x1x79x128xi32, #tpu.memory_space<hbm>> -> memref<79x128xi32, #tpu.memory_space<hbm>>
      %dma_start3A_23 = arith.constant 0 : i32
      %dma_start3A_24 = arith.constant 0 : i32
      %dma_start3A_25 = tpu.memref_slice %arg3[%arg0, %arg1, %dma_start3A_23, %dma_start3A_24] : memref<2x16x79x128xi32, #tpu.memory_space<hbm>> -> memref<1x1x79x128xi32, #tpu.memory_space<hbm>>
      %dma_start3A_26 = tpu.memref_squeeze %dma_start3A_25 : memref<1x1x79x128xi32, #tpu.memory_space<hbm>> -> memref<79x128xi32, #tpu.memory_space<hbm>>
      tpu.enqueue_dma source(%dma_start3A_26 : memref<79x128xi32, #tpu.memory_space<hbm>>) target(%arg6 : memref<79x128xi32, #tpu.memory_space<vmem>>) target_semaphore(%run_scoped3A : memref<!tpu.dma_semaphore, #tpu.memory_space<semaphore_mem>>)
      %dma_wait3A = arith.constant 0 : i32
      %dma_wait3A_27 = arith.constant 0 : i32
      %dma_wait3A_28 = tpu.memref_slice %arg3[%arg0, %arg1, %dma_wait3A, %dma_wait3A_27] : memref<2x16x79x128xi32, #tpu.memory_space<hbm>> -> memref<1x1x79x128xi32, #tpu.memory_space<hbm>>
      %dma_wait3A_29 = tpu.memref_squeeze %dma_wait3A_28 : memref<1x1x79x128xi32, #tpu.memory_space<hbm>> -> memref<79x128xi32, #tpu.memory_space<hbm>>
      %dma_wait3A_30 = arith.constant 0 : i32
      %dma_wait3A_31 = arith.constant 0 : i32
      %dma_wait3A_32 = tpu.memref_slice %arg3[%arg0, %arg1, %dma_wait3A_30, %dma_wait3A_31] : memref<2x16x79x128xi32, #tpu.memory_space<hbm>> -> memref<1x1x79x128xi32, #tpu.memory_space<hbm>>
      %dma_wait3A_33 = tpu.memref_squeeze %dma_wait3A_32 : memref<1x1x79x128xi32, #tpu.memory_space<hbm>> -> memref<79x128xi32, #tpu.memory_space<hbm>>
      tpu.wait_dma2 semaphore(%run_scoped3A : memref<!tpu.dma_semaphore, #tpu.memory_space<semaphore_mem>>) src(%dma_wait3A_33 : memref<79x128xi32, #tpu.memory_space<hbm>>) dst(%arg6 : memref<79x128xi32, #tpu.memory_space<vmem>>)
      tpu.yield
    }) : () -> ()
    "tpu.region"() ({
      %run_scoped3A = tpu.sem_alloc : memref<!tpu.dma_semaphore, #tpu.memory_space<semaphore_mem>>
      %dma_start3A = arith.constant 0 : i32
      %dma_start3A_20 = arith.constant 0 : i32
      %dma_start3A_21 = tpu.memref_slice %arg4[%arg0, %arg1, %dma_start3A, %dma_start3A_20] : memref<2x16x79x128xi32, #tpu.memory_space<hbm>> -> memref<1x1x79x128xi32, #tpu.memory_space<hbm>>
      %dma_start3A_22 = tpu.memref_squeeze %dma_start3A_21 : memref<1x1x79x128xi32, #tpu.memory_space<hbm>> -> memref<79x128xi32, #tpu.memory_space<hbm>>
      %dma_start3A_23 = arith.constant 0 : i32
      %dma_start3A_24 = arith.constant 0 : i32
      %dma_start3A_25 = tpu.memref_slice %arg4[%arg0, %arg1, %dma_start3A_23, %dma_start3A_24] : memref<2x16x79x128xi32, #tpu.memory_space<hbm>> -> memref<1x1x79x128xi32, #tpu.memory_space<hbm>>
      %dma_start3A_26 = tpu.memref_squeeze %dma_start3A_25 : memref<1x1x79x128xi32, #tpu.memory_space<hbm>> -> memref<79x128xi32, #tpu.memory_space<hbm>>
      tpu.enqueue_dma source(%dma_start3A_26 : memref<79x128xi32, #tpu.memory_space<hbm>>) target(%arg7 : memref<79x128xi32, #tpu.memory_space<vmem>>) target_semaphore(%run_scoped3A : memref<!tpu.dma_semaphore, #tpu.memory_space<semaphore_mem>>)
      %dma_wait3A = arith.constant 0 : i32
      %dma_wait3A_27 = arith.constant 0 : i32
      %dma_wait3A_28 = tpu.memref_slice %arg4[%arg0, %arg1, %dma_wait3A, %dma_wait3A_27] : memref<2x16x79x128xi32, #tpu.memory_space<hbm>> -> memref<1x1x79x128xi32, #tpu.memory_space<hbm>>
      %dma_wait3A_29 = tpu.memref_squeeze %dma_wait3A_28 : memref<1x1x79x128xi32, #tpu.memory_space<hbm>> -> memref<79x128xi32, #tpu.memory_space<hbm>>
      %dma_wait3A_30 = arith.constant 0 : i32
      %dma_wait3A_31 = arith.constant 0 : i32
      %dma_wait3A_32 = tpu.memref_slice %arg4[%arg0, %arg1, %dma_wait3A_30, %dma_wait3A_31] : memref<2x16x79x128xi32, #tpu.memory_space<hbm>> -> memref<1x1x79x128xi32, #tpu.memory_space<hbm>>
      %dma_wait3A_33 = tpu.memref_squeeze %dma_wait3A_32 : memref<1x1x79x128xi32, #tpu.memory_space<hbm>> -> memref<79x128xi32, #tpu.memory_space<hbm>>
      tpu.wait_dma2 semaphore(%run_scoped3A : memref<!tpu.dma_semaphore, #tpu.memory_space<semaphore_mem>>) src(%dma_wait3A_33 : memref<79x128xi32, #tpu.memory_space<hbm>>) dst(%arg7 : memref<79x128xi32, #tpu.memory_space<vmem>>)
      tpu.yield
    }) : () -> ()
    %barrier3A = arith.constant 0 : index
    tpu.barrier barrier_id(%barrier3A)
    %scan3A_9 = arith.constant 0 : i32
    %scan3A_10 = arith.constant 79 : i32
    %scan3A_11 = arith.addi %scan3A_9, %scan3A_10 : i32
    %scan3A_12 = arith.constant 1 : i32
    scf.for %scan3A_20 = %scan3A_9 to %scan3A_11 step %scan3A_12  : i32 {
      %mul3A = arith.constant 1 : i32
      %mul3A_21 = arith.muli %scan3A_20, %mul3A : i32
      %add3A = arith.constant 0 : i32
      %add3A_22 = arith.addi %add3A, %mul3A_21 : i32
      %dma_start3A = arith.constant 0 : i32
      %dma_start3A_23 = tpu.memref_slice %arg6[%add3A_22, %dma_start3A] : memref<79x128xi32, #tpu.memory_space<vmem>> -> memref<1x128xi32, #tpu.memory_space<vmem>>
      %dma_start3A_24 = tpu.memref_squeeze %dma_start3A_23 : memref<1x128xi32, #tpu.memory_space<vmem>> -> memref<128xi32, #tpu.memory_space<vmem>>
      %dma_start3A_25 = arith.constant 0 : i32
      %dma_start3A_26 = arith.constant 0 : i32
      %dma_start3A_27 = tpu.memref_slice %arg2[%dma_start3A_25, %dma_start3A_26] : memref<10000x128xf32, #tpu.memory_space<hbm>> -> memref<10000x128xf32, #tpu.memory_space<hbm>>
      tpu.enqueue_indirect_dma source(%dma_start3A_27 : memref<10000x128xf32, #tpu.memory_space<hbm>>) target(%arg8 : memref<128x128xf32, #tpu.memory_space<vmem>>) offsets(%dma_start3A_24 : memref<128xi32, #tpu.memory_space<vmem>>) semaphore(%arg10 : memref<!tpu.dma_semaphore, #tpu.memory_space<semaphore_mem>>)
      %dma_wait3A = arith.constant 0 : i32
      %dma_wait3A_28 = tpu.memref_slice %arg6[%add3A_22, %dma_wait3A] : memref<79x128xi32, #tpu.memory_space<vmem>> -> memref<1x128xi32, #tpu.memory_space<vmem>>
      %dma_wait3A_29 = tpu.memref_squeeze %dma_wait3A_28 : memref<1x128xi32, #tpu.memory_space<vmem>> -> memref<128xi32, #tpu.memory_space<vmem>>
      %dma_wait3A_30 = arith.constant 0 : i32
      %dma_wait3A_31 = arith.constant 0 : i32
      %dma_wait3A_32 = tpu.memref_slice %arg2[%dma_wait3A_30, %dma_wait3A_31] : memref<10000x128xf32, #tpu.memory_space<hbm>> -> memref<10000x128xf32, #tpu.memory_space<hbm>>
      tpu.wait_indirect_dma semaphore(%arg10 : memref<!tpu.dma_semaphore, #tpu.memory_space<semaphore_mem>>) src(%dma_wait3A_32 : memref<10000x128xf32, #tpu.memory_space<hbm>>) dst(%arg8 : memref<128x128xf32, #tpu.memory_space<vmem>>)
      "tpu.region"() ({
        %run_scoped3A = tpu.sem_alloc : memref<!tpu.dma_semaphore, #tpu.memory_space<semaphore_mem>>
        %dma_start3A_33 = arith.constant 0 : i32
        %dma_start3A_34 = tpu.memref_slice %arg7[%add3A_22, %dma_start3A_33] : memref<79x128xi32, #tpu.memory_space<vmem>> -> memref<1x128xi32, #tpu.memory_space<vmem>>
        %dma_start3A_35 = tpu.memref_squeeze %dma_start3A_34 : memref<1x128xi32, #tpu.memory_space<vmem>> -> memref<128xi32, #tpu.memory_space<vmem>>
        %dma_start3A_36 = arith.constant 0 : i32
        %dma_start3A_37 = arith.constant 0 : i32
        %dma_start3A_38 = tpu.memref_slice %arg9[%dma_start3A_36, %dma_start3A_37] : memref<10240x128xf32, #tpu.memory_space<vmem_shared>> -> memref<10240x128xf32, #tpu.memory_space<vmem_shared>>
        tpu.enqueue_indirect_dma source(%arg8 : memref<128x128xf32, #tpu.memory_space<vmem>>) target(%dma_start3A_38 : memref<10240x128xf32, #tpu.memory_space<vmem_shared>>) offsets(%dma_start3A_35 : memref<128xi32, #tpu.memory_space<vmem>>) semaphore(%run_scoped3A : memref<!tpu.dma_semaphore, #tpu.memory_space<semaphore_mem>>) {add = true}
        %dma_wait3A_39 = arith.constant 0 : i32
        %dma_wait3A_40 = tpu.memref_slice %arg7[%add3A_22, %dma_wait3A_39] : memref<79x128xi32, #tpu.memory_space<vmem>> -> memref<1x128xi32, #tpu.memory_space<vmem>>
        %dma_wait3A_41 = tpu.memref_squeeze %dma_wait3A_40 : memref<1x128xi32, #tpu.memory_space<vmem>> -> memref<128xi32, #tpu.memory_space<vmem>>
        %dma_wait3A_42 = arith.constant 0 : i32
        %dma_wait3A_43 = arith.constant 0 : i32
        %dma_wait3A_44 = tpu.memref_slice %arg9[%dma_wait3A_42, %dma_wait3A_43] : memref<10240x128xf32, #tpu.memory_space<vmem_shared>> -> memref<10240x128xf32, #tpu.memory_space<vmem_shared>>
        tpu.wait_indirect_dma semaphore(%run_scoped3A : memref<!tpu.dma_semaphore, #tpu.memory_space<semaphore_mem>>) src(%arg8 : memref<128x128xf32, #tpu.memory_space<vmem>>) dst(%dma_wait3A_44 : memref<10240x128xf32, #tpu.memory_space<vmem_shared>>)
        tpu.yield
      }) : () -> ()
    }
    %scan3A_13 = arith.constant 79 : i32
    %barrier3A_14 = arith.constant 0 : index
    tpu.barrier barrier_id(%barrier3A_14)
    %scan3A_15 = arith.constant 0 : i32
    %scan3A_16 = arith.constant 5 : i32
    %scan3A_17 = arith.addi %scan3A_15, %scan3A_16 : i32
    %scan3A_18 = arith.constant 1 : i32
    scf.for %scan3A_20 = %scan3A_15 to %scan3A_17 step %scan3A_18  : i32 {
      %mul3A = arith.constant 1 : i32
      %mul3A_21 = arith.muli %scan3A_20, %mul3A : i32
      %add3A = arith.constant 0 : i32
      %add3A_22 = arith.addi %add3A, %mul3A_21 : i32
      %mul3A_23 = arith.constant 640 : i32
      %mul3A_24 = arith.muli %arg1, %mul3A_23 : i32
      %mul3A_25 = arith.constant 128 : i32
      %mul3A_26 = arith.muli %add3A_22, %mul3A_25 : i32
      %add3A_27 = arith.addi %mul3A_24, %mul3A_26 : i32
      "tpu.region"() ({
        %run_scoped3A = tpu.sem_alloc : memref<!tpu.dma_semaphore, #tpu.memory_space<semaphore_mem>>
        %dma_start3A = arith.constant 0 : i32
        %dma_start3A_28 = tpu.memref_slice %arg5[%arg0, %add3A_27, %dma_start3A] : memref<2x10240x128xf32, #tpu.memory_space<hbm>> -> memref<1x128x128xf32, #tpu.memory_space<hbm>>
        %dma_start3A_29 = tpu.memref_squeeze %dma_start3A_28 : memref<1x128x128xf32, #tpu.memory_space<hbm>> -> memref<128x128xf32, #tpu.memory_space<hbm>>
        %dma_start3A_30 = arith.constant 0 : i32
        %dma_start3A_31 = tpu.memref_slice %arg9[%add3A_27, %dma_start3A_30] : memref<10240x128xf32, #tpu.memory_space<vmem_shared>> -> memref<128x128xf32, #tpu.memory_space<vmem_shared>>
        tpu.enqueue_dma source(%dma_start3A_31 : memref<128x128xf32, #tpu.memory_space<vmem_shared>>) target(%dma_start3A_29 : memref<128x128xf32, #tpu.memory_space<hbm>>) target_semaphore(%run_scoped3A : memref<!tpu.dma_semaphore, #tpu.memory_space<semaphore_mem>>)
        %dma_wait3A = arith.constant 0 : i32
        %dma_wait3A_32 = tpu.memref_slice %arg5[%arg0, %add3A_27, %dma_wait3A] : memref<2x10240x128xf32, #tpu.memory_space<hbm>> -> memref<1x128x128xf32, #tpu.memory_space<hbm>>
        %dma_wait3A_33 = tpu.memref_squeeze %dma_wait3A_32 : memref<1x128x128xf32, #tpu.memory_space<hbm>> -> memref<128x128xf32, #tpu.memory_space<hbm>>
        %dma_wait3A_34 = arith.constant 0 : i32
        %dma_wait3A_35 = tpu.memref_slice %arg9[%add3A_27, %dma_wait3A_34] : memref<10240x128xf32, #tpu.memory_space<vmem_shared>> -> memref<128x128xf32, #tpu.memory_space<vmem_shared>>
        tpu.wait_dma2 semaphore(%run_scoped3A : memref<!tpu.dma_semaphore, #tpu.memory_space<semaphore_mem>>) src(%dma_wait3A_35 : memref<128x128xf32, #tpu.memory_space<vmem_shared>>) dst(%dma_wait3A_33 : memref<128x128xf32, #tpu.memory_space<hbm>>)
        tpu.yield
      }) : () -> ()
    }
    %scan3A_19 = arith.constant 5 : i32
    return
  }
}

#map = affine_map<(d0, d1) -> (0, 0)>
#map1 = affine_map<(d0, d1) -> (0, 0, 0, 0)>
#map2 = affine_map<(d0, d1) -> (0, 0, 0)>
module attributes {stable_mosaic.version = 14 : i64} {
  func.func @k(%arg0: i32, %arg1: i32, %arg2: memref<10000x128xf32, #tpu.memory_space<hbm>>, %arg3: memref<2x16x79x128xi32, #tpu.memory_space<hbm>>, %arg4: memref<2x16x79x128xi32, #tpu.memory_space<hbm>>, %arg5: memref<2x10240x128xf32, #tpu.memory_space<hbm>>, %arg6: memref<79x128xi32, #tpu.memory_space<vmem>>, %arg7: memref<79x128xi32, #tpu.memory_space<vmem>>, %arg8: memref<128x128xf32, #tpu.memory_space<vmem>>, %arg9: memref<10240x128xf32, #tpu.memory_space<vmem_shared>>, %arg10: memref<!tpu.dma_semaphore, #tpu.memory_space<semaphore_mem>>) attributes {dimension_semantics = [#tpu.dimension_semantics<core_parallel>, #tpu.dimension_semantics<subcore_parallel>], iteration_bounds = array<i64: 2, 16>, scalar_prefetch = 0 : i64, scratch_operands = 5 : i64, tpu.core_type = #tpu.core_type<sc_vector_subcore>, window_params = [{transform_indices = #map}, {transform_indices = #map1}, {transform_indices = #map1}, {transform_indices = #map2}]} {
    %scan3A = arith.constant 0 : i32
    %scan3A_0 = arith.constant 128 : i32
    %scan3A_1 = arith.addi %scan3A, %scan3A_0 : i32
    %scan3A_2 = arith.constant 1 : i32
    scf.for %scan3A_20 = %scan3A to %scan3A_1 step %scan3A_2  : i32 {
      %mul3A = arith.constant 1 : i32
      %mul3A_21 = arith.muli %scan3A_20, %mul3A : i32
      %add3A = arith.constant 0 : i32
      %add3A_22 = arith.addi %add3A, %mul3A_21 : i32
      %broadcast_in_dim3A = arith.constant 0.000000e+00 : f32
      %broadcast_in_dim3A_23 = vector.broadcast %broadcast_in_dim3A : f32 to vector<16xf32>
      %swap3A = arith.index_cast %add3A_22 : i32 to index
      %swap3A_24 = arith.constant 0 : index
      %swap3A_25 = tpu.vector_load %arg8[%swap3A, %swap3A_24] {strides = array<i32>} : memref<128x128xf32, #tpu.memory_space<vmem>>, vector<1x16xf32>,
      %swap3A_26 = vector.shape_cast %swap3A_25 : vector<1x16xf32> to vector<16xf32>
      %swap3A_27 = vector.shape_cast %broadcast_in_dim3A_23 : vector<16xf32> to vector<1x16xf32>
      tpu.vector_store %arg8[%swap3A, %swap3A_24], %swap3A_27 {strides = array<i32>} : memref<128x128xf32, #tpu.memory_space<vmem>>, vector<1x16xf32>,
      %broadcast_in_dim3A_28 = arith.constant 0.000000e+00 : f32
      %broadcast_in_dim3A_29 = vector.broadcast %broadcast_in_dim3A_28 : f32 to vector<16xf32>
      %swap3A_30 = arith.index_cast %add3A_22 : i32 to index
      %swap3A_31 = arith.constant 16 : index
      %swap3A_32 = tpu.vector_load %arg8[%swap3A_30, %swap3A_31] {strides = array<i32>} : memref<128x128xf32, #tpu.memory_space<vmem>>, vector<1x16xf32>,
      %swap3A_33 = vector.shape_cast %swap3A_32 : vector<1x16xf32> to vector<16xf32>
      %swap3A_34 = vector.shape_cast %broadcast_in_dim3A_29 : vector<16xf32> to vector<1x16xf32>
      tpu.vector_store %arg8[%swap3A_30, %swap3A_31], %swap3A_34 {strides = array<i32>} : memref<128x128xf32, #tpu.memory_space<vmem>>, vector<1x16xf32>,
      %broadcast_in_dim3A_35 = arith.constant 0.000000e+00 : f32
      %broadcast_in_dim3A_36 = vector.broadcast %broadcast_in_dim3A_35 : f32 to vector<16xf32>
      %swap3A_37 = arith.index_cast %add3A_22 : i32 to index
      %swap3A_38 = arith.constant 32 : index
      %swap3A_39 = tpu.vector_load %arg8[%swap3A_37, %swap3A_38] {strides = array<i32>} : memref<128x128xf32, #tpu.memory_space<vmem>>, vector<1x16xf32>,
      %swap3A_40 = vector.shape_cast %swap3A_39 : vector<1x16xf32> to vector<16xf32>
      %swap3A_41 = vector.shape_cast %broadcast_in_dim3A_36 : vector<16xf32> to vector<1x16xf32>
      tpu.vector_store %arg8[%swap3A_37, %swap3A_38], %swap3A_41 {strides = array<i32>} : memref<128x128xf32, #tpu.memory_space<vmem>>, vector<1x16xf32>,
      %broadcast_in_dim3A_42 = arith.constant 0.000000e+00 : f32
      %broadcast_in_dim3A_43 = vector.broadcast %broadcast_in_dim3A_42 : f32 to vector<16xf32>
      %swap3A_44 = arith.index_cast %add3A_22 : i32 to index
      %swap3A_45 = arith.constant 48 : index
      %swap3A_46 = tpu.vector_load %arg8[%swap3A_44, %swap3A_45] {strides = array<i32>} : memref<128x128xf32, #tpu.memory_space<vmem>>, vector<1x16xf32>,
      %swap3A_47 = vector.shape_cast %swap3A_46 : vector<1x16xf32> to vector<16xf32>
      %swap3A_48 = vector.shape_cast %broadcast_in_dim3A_43 : vector<16xf32> to vector<1x16xf32>
      tpu.vector_store %arg8[%swap3A_44, %swap3A_45], %swap3A_48 {strides = array<i32>} : memref<128x128xf32, #tpu.memory_space<vmem>>, vector<1x16xf32>,
      %broadcast_in_dim3A_49 = arith.constant 0.000000e+00 : f32
      %broadcast_in_dim3A_50 = vector.broadcast %broadcast_in_dim3A_49 : f32 to vector<16xf32>
      %swap3A_51 = arith.index_cast %add3A_22 : i32 to index
      %swap3A_52 = arith.constant 64 : index
      %swap3A_53 = tpu.vector_load %arg8[%swap3A_51, %swap3A_52] {strides = array<i32>} : memref<128x128xf32, #tpu.memory_space<vmem>>, vector<1x16xf32>,
      %swap3A_54 = vector.shape_cast %swap3A_53 : vector<1x16xf32> to vector<16xf32>
      %swap3A_55 = vector.shape_cast %broadcast_in_dim3A_50 : vector<16xf32> to vector<1x16xf32>
      tpu.vector_store %arg8[%swap3A_51, %swap3A_52], %swap3A_55 {strides = array<i32>} : memref<128x128xf32, #tpu.memory_space<vmem>>, vector<1x16xf32>,
      %broadcast_in_dim3A_56 = arith.constant 0.000000e+00 : f32
      %broadcast_in_dim3A_57 = vector.broadcast %broadcast_in_dim3A_56 : f32 to vector<16xf32>
      %swap3A_58 = arith.index_cast %add3A_22 : i32 to index
      %swap3A_59 = arith.constant 80 : index
      %swap3A_60 = tpu.vector_load %arg8[%swap3A_58, %swap3A_59] {strides = array<i32>} : memref<128x128xf32, #tpu.memory_space<vmem>>, vector<1x16xf32>,
      %swap3A_61 = vector.shape_cast %swap3A_60 : vector<1x16xf32> to vector<16xf32>
      %swap3A_62 = vector.shape_cast %broadcast_in_dim3A_57 : vector<16xf32> to vector<1x16xf32>
      tpu.vector_store %arg8[%swap3A_58, %swap3A_59], %swap3A_62 {strides = array<i32>} : memref<128x128xf32, #tpu.memory_space<vmem>>, vector<1x16xf32>,
      %broadcast_in_dim3A_63 = arith.constant 0.000000e+00 : f32
      %broadcast_in_dim3A_64 = vector.broadcast %broadcast_in_dim3A_63 : f32 to vector<16xf32>
      %swap3A_65 = arith.index_cast %add3A_22 : i32 to index
      %swap3A_66 = arith.constant 96 : index
      %swap3A_67 = tpu.vector_load %arg8[%swap3A_65, %swap3A_66] {strides = array<i32>} : memref<128x128xf32, #tpu.memory_space<vmem>>, vector<1x16xf32>,
      %swap3A_68 = vector.shape_cast %swap3A_67 : vector<1x16xf32> to vector<16xf32>
      %swap3A_69 = vector.shape_cast %broadcast_in_dim3A_64 : vector<16xf32> to vector<1x16xf32>
      tpu.vector_store %arg8[%swap3A_65, %swap3A_66], %swap3A_69 {strides = array<i32>} : memref<128x128xf32, #tpu.memory_space<vmem>>, vector<1x16xf32>,
      %broadcast_in_dim3A_70 = arith.constant 0.000000e+00 : f32
      %broadcast_in_dim3A_71 = vector.broadcast %broadcast_in_dim3A_70 : f32 to vector<16xf32>
      %swap3A_72 = arith.index_cast %add3A_22 : i32 to index
      %swap3A_73 = arith.constant 112 : index
      %swap3A_74 = tpu.vector_load %arg8[%swap3A_72, %swap3A_73] {strides = array<i32>} : memref<128x128xf32, #tpu.memory_space<vmem>>, vector<1x16xf32>,
      %swap3A_75 = vector.shape_cast %swap3A_74 : vector<1x16xf32> to vector<16xf32>
      %swap3A_76 = vector.shape_cast %broadcast_in_dim3A_71 : vector<16xf32> to vector<1x16xf32>
      tpu.vector_store %arg8[%swap3A_72, %swap3A_73], %swap3A_76 {strides = array<i32>} : memref<128x128xf32, #tpu.memory_space<vmem>>, vector<1x16xf32>,
    }
    %scan3A_3 = arith.constant 128 : i32
    %scan3A_4 = arith.constant 0 : i32
    %scan3A_5 = arith.constant 5 : i32
    %scan3A_6 = arith.addi %scan3A_4, %scan3A_5 : i32
    %scan3A_7 = arith.constant 1 : i32
    scf.for %scan3A_20 = %scan3A_4 to %scan3A_6 step %scan3A_7  : i32 {
      %mul3A = arith.constant 1 : i32
      %mul3A_21 = arith.muli %scan3A_20, %mul3A : i32
      %add3A = arith.constant 0 : i32
      %add3A_22 = arith.addi %add3A, %mul3A_21 : i32
      %mul3A_23 = arith.constant 640 : i32
      %mul3A_24 = arith.muli %arg1, %mul3A_23 : i32
      %mul3A_25 = arith.constant 128 : i32
      %mul3A_26 = arith.muli %add3A_22, %mul3A_25 : i32
      %add3A_27 = arith.addi %mul3A_24, %mul3A_26 : i32
      "tpu.region"() ({
        %run_scoped3A = tpu.sem_alloc : memref<!tpu.dma_semaphore, #tpu.memory_space<semaphore_mem>>
        %dma_start3A = arith.constant 0 : i32
        %dma_start3A_28 = tpu.memref_slice %arg9[%add3A_27, %dma_start3A] : memref<10240x128xf32, #tpu.memory_space<vmem_shared>> -> memref<128x128xf32, #tpu.memory_space<vmem_shared>>
        %dma_start3A_29 = arith.constant 0 : i32
        %dma_start3A_30 = tpu.memref_slice %arg9[%add3A_27, %dma_start3A_29] : memref<10240x128xf32, #tpu.memory_space<vmem_shared>> -> memref<128x128xf32, #tpu.memory_space<vmem_shared>>
        tpu.enqueue_dma source(%arg8 : memref<128x128xf32, #tpu.memory_space<vmem>>) target(%dma_start3A_30 : memref<128x128xf32, #tpu.memory_space<vmem_shared>>) target_semaphore(%run_scoped3A : memref<!tpu.dma_semaphore, #tpu.memory_space<semaphore_mem>>)
        %dma_wait3A = arith.constant 0 : i32
        %dma_wait3A_31 = tpu.memref_slice %arg9[%add3A_27, %dma_wait3A] : memref<10240x128xf32, #tpu.memory_space<vmem_shared>> -> memref<128x128xf32, #tpu.memory_space<vmem_shared>>
        %dma_wait3A_32 = arith.constant 0 : i32
        %dma_wait3A_33 = tpu.memref_slice %arg9[%add3A_27, %dma_wait3A_32] : memref<10240x128xf32, #tpu.memory_space<vmem_shared>> -> memref<128x128xf32, #tpu.memory_space<vmem_shared>>
        tpu.wait_dma2 semaphore(%run_scoped3A : memref<!tpu.dma_semaphore, #tpu.memory_space<semaphore_mem>>) src(%arg8 : memref<128x128xf32, #tpu.memory_space<vmem>>) dst(%dma_wait3A_33 : memref<128x128xf32, #tpu.memory_space<vmem_shared>>)
        tpu.yield
      }) : () -> ()
    }
    %scan3A_8 = arith.constant 5 : i32
    "tpu.region"() ({
      %run_scoped3A = tpu.sem_alloc : memref<!tpu.dma_semaphore, #tpu.memory_space<semaphore_mem>>
      %dma_start3A = arith.constant 0 : i32
      %dma_start3A_20 = arith.constant 0 : i32
      %dma_start3A_21 = tpu.memref_slice %arg3[%arg0, %arg1, %dma_start3A, %dma_start3A_20] : memref<2x16x79x128xi32, #tpu.memory_space<hbm>> -> memref<1x1x79x128xi32, #tpu.memory_space<hbm>>
      %dma_start3A_22 = tpu.memref_squeeze %dma_start3A_21 : memref<1x1x79x128xi32, #tpu.memory_space<hbm>> -> memref<79x128xi32, #tpu.memory_space<hbm>>
      %dma_start3A_23 = arith.constant 0 : i32
      %dma_start3A_24 = arith.constant 0 : i32
      %dma_start3A_25 = tpu.memref_slice %arg3[%arg0, %arg1, %dma_start3A_23, %dma_start3A_24] : memref<2x16x79x128xi32, #tpu.memory_space<hbm>> -> memref<1x1x79x128xi32, #tpu.memory_space<hbm>>
      %dma_start3A_26 = tpu.memref_squeeze %dma_start3A_25 : memref<1x1x79x128xi32, #tpu.memory_space<hbm>> -> memref<79x128xi32, #tpu.memory_space<hbm>>
      tpu.enqueue_dma source(%dma_start3A_26 : memref<79x128xi32, #tpu.memory_space<hbm>>) target(%arg6 : memref<79x128xi32, #tpu.memory_space<vmem>>) target_semaphore(%run_scoped3A : memref<!tpu.dma_semaphore, #tpu.memory_space<semaphore_mem>>)
      %dma_wait3A = arith.constant 0 : i32
      %dma_wait3A_27 = arith.constant 0 : i32
      %dma_wait3A_28 = tpu.memref_slice %arg3[%arg0, %arg1, %dma_wait3A, %dma_wait3A_27] : memref<2x16x79x128xi32, #tpu.memory_space<hbm>> -> memref<1x1x79x128xi32, #tpu.memory_space<hbm>>
      %dma_wait3A_29 = tpu.memref_squeeze %dma_wait3A_28 : memref<1x1x79x128xi32, #tpu.memory_space<hbm>> -> memref<79x128xi32, #tpu.memory_space<hbm>>
      %dma_wait3A_30 = arith.constant 0 : i32
      %dma_wait3A_31 = arith.constant 0 : i32
      %dma_wait3A_32 = tpu.memref_slice %arg3[%arg0, %arg1, %dma_wait3A_30, %dma_wait3A_31] : memref<2x16x79x128xi32, #tpu.memory_space<hbm>> -> memref<1x1x79x128xi32, #tpu.memory_space<hbm>>
      %dma_wait3A_33 = tpu.memref_squeeze %dma_wait3A_32 : memref<1x1x79x128xi32, #tpu.memory_space<hbm>> -> memref<79x128xi32, #tpu.memory_space<hbm>>
      tpu.wait_dma2 semaphore(%run_scoped3A : memref<!tpu.dma_semaphore, #tpu.memory_space<semaphore_mem>>) src(%dma_wait3A_33 : memref<79x128xi32, #tpu.memory_space<hbm>>) dst(%arg6 : memref<79x128xi32, #tpu.memory_space<vmem>>)
      tpu.yield
    }) : () -> ()
    "tpu.region"() ({
      %run_scoped3A = tpu.sem_alloc : memref<!tpu.dma_semaphore, #tpu.memory_space<semaphore_mem>>
      %dma_start3A = arith.constant 0 : i32
      %dma_start3A_20 = arith.constant 0 : i32
      %dma_start3A_21 = tpu.memref_slice %arg4[%arg0, %arg1, %dma_start3A, %dma_start3A_20] : memref<2x16x79x128xi32, #tpu.memory_space<hbm>> -> memref<1x1x79x128xi32, #tpu.memory_space<hbm>>
      %dma_start3A_22 = tpu.memref_squeeze %dma_start3A_21 : memref<1x1x79x128xi32, #tpu.memory_space<hbm>> -> memref<79x128xi32, #tpu.memory_space<hbm>>
      %dma_start3A_23 = arith.constant 0 : i32
      %dma_start3A_24 = arith.constant 0 : i32
      %dma_start3A_25 = tpu.memref_slice %arg4[%arg0, %arg1, %dma_start3A_23, %dma_start3A_24] : memref<2x16x79x128xi32, #tpu.memory_space<hbm>> -> memref<1x1x79x128xi32, #tpu.memory_space<hbm>>
      %dma_start3A_26 = tpu.memref_squeeze %dma_start3A_25 : memref<1x1x79x128xi32, #tpu.memory_space<hbm>> -> memref<79x128xi32, #tpu.memory_space<hbm>>
      tpu.enqueue_dma source(%dma_start3A_26 : memref<79x128xi32, #tpu.memory_space<hbm>>) target(%arg7 : memref<79x128xi32, #tpu.memory_space<vmem>>) target_semaphore(%run_scoped3A : memref<!tpu.dma_semaphore, #tpu.memory_space<semaphore_mem>>)
      %dma_wait3A = arith.constant 0 : i32
      %dma_wait3A_27 = arith.constant 0 : i32
      %dma_wait3A_28 = tpu.memref_slice %arg4[%arg0, %arg1, %dma_wait3A, %dma_wait3A_27] : memref<2x16x79x128xi32, #tpu.memory_space<hbm>> -> memref<1x1x79x128xi32, #tpu.memory_space<hbm>>
      %dma_wait3A_29 = tpu.memref_squeeze %dma_wait3A_28 : memref<1x1x79x128xi32, #tpu.memory_space<hbm>> -> memref<79x128xi32, #tpu.memory_space<hbm>>
      %dma_wait3A_30 = arith.constant 0 : i32
      %dma_wait3A_31 = arith.constant 0 : i32
      %dma_wait3A_32 = tpu.memref_slice %arg4[%arg0, %arg1, %dma_wait3A_30, %dma_wait3A_31] : memref<2x16x79x128xi32, #tpu.memory_space<hbm>> -> memref<1x1x79x128xi32, #tpu.memory_space<hbm>>
      %dma_wait3A_33 = tpu.memref_squeeze %dma_wait3A_32 : memref<1x1x79x128xi32, #tpu.memory_space<hbm>> -> memref<79x128xi32, #tpu.memory_space<hbm>>
      tpu.wait_dma2 semaphore(%run_scoped3A : memref<!tpu.dma_semaphore, #tpu.memory_space<semaphore_mem>>) src(%dma_wait3A_33 : memref<79x128xi32, #tpu.memory_space<hbm>>) dst(%arg7 : memref<79x128xi32, #tpu.memory_space<vmem>>)
      tpu.yield
    }) : () -> ()
    %barrier3A = arith.constant 0 : index
    tpu.barrier barrier_id(%barrier3A)
    %scan3A_9 = arith.constant 0 : i32
    %scan3A_10 = arith.constant 79 : i32
    %scan3A_11 = arith.addi %scan3A_9, %scan3A_10 : i32
    %scan3A_12 = arith.constant 1 : i32
    scf.for %scan3A_20 = %scan3A_9 to %scan3A_11 step %scan3A_12  : i32 {
      %mul3A = arith.constant 1 : i32
      %mul3A_21 = arith.muli %scan3A_20, %mul3A : i32
      %add3A = arith.constant 0 : i32
      %add3A_22 = arith.addi %add3A, %mul3A_21 : i32
      %dma_start3A = arith.constant 0 : i32
      %dma_start3A_23 = tpu.memref_slice %arg6[%add3A_22, %dma_start3A] : memref<79x128xi32, #tpu.memory_space<vmem>> -> memref<1x128xi32, #tpu.memory_space<vmem>>
      %dma_start3A_24 = tpu.memref_squeeze %dma_start3A_23 : memref<1x128xi32, #tpu.memory_space<vmem>> -> memref<128xi32, #tpu.memory_space<vmem>>
      %dma_start3A_25 = arith.constant 0 : i32
      %dma_start3A_26 = arith.constant 0 : i32
      %dma_start3A_27 = tpu.memref_slice %arg2[%dma_start3A_25, %dma_start3A_26] : memref<10000x128xf32, #tpu.memory_space<hbm>> -> memref<10000x128xf32, #tpu.memory_space<hbm>>
      tpu.enqueue_indirect_dma source(%dma_start3A_27 : memref<10000x128xf32, #tpu.memory_space<hbm>>) target(%arg8 : memref<128x128xf32, #tpu.memory_space<vmem>>) offsets(%dma_start3A_24 : memref<128xi32, #tpu.memory_space<vmem>>) semaphore(%arg10 : memref<!tpu.dma_semaphore, #tpu.memory_space<semaphore_mem>>)
      %dma_wait3A = arith.constant 0 : i32
      %dma_wait3A_28 = tpu.memref_slice %arg6[%add3A_22, %dma_wait3A] : memref<79x128xi32, #tpu.memory_space<vmem>> -> memref<1x128xi32, #tpu.memory_space<vmem>>
      %dma_wait3A_29 = tpu.memref_squeeze %dma_wait3A_28 : memref<1x128xi32, #tpu.memory_space<vmem>> -> memref<128xi32, #tpu.memory_space<vmem>>
      %dma_wait3A_30 = arith.constant 0 : i32
      %dma_wait3A_31 = arith.constant 0 : i32
      %dma_wait3A_32 = tpu.memref_slice %arg2[%dma_wait3A_30, %dma_wait3A_31] : memref<10000x128xf32, #tpu.memory_space<hbm>> -> memref<10000x128xf32, #tpu.memory_space<hbm>>
      tpu.wait_indirect_dma semaphore(%arg10 : memref<!tpu.dma_semaphore, #tpu.memory_space<semaphore_mem>>) src(%dma_wait3A_32 : memref<10000x128xf32, #tpu.memory_space<hbm>>) dst(%arg8 : memref<128x128xf32, #tpu.memory_space<vmem>>)
      "tpu.region"() ({
        %run_scoped3A = tpu.sem_alloc : memref<!tpu.dma_semaphore, #tpu.memory_space<semaphore_mem>>
        %dma_start3A_33 = arith.constant 0 : i32
        %dma_start3A_34 = tpu.memref_slice %arg7[%add3A_22, %dma_start3A_33] : memref<79x128xi32, #tpu.memory_space<vmem>> -> memref<1x128xi32, #tpu.memory_space<vmem>>
        %dma_start3A_35 = tpu.memref_squeeze %dma_start3A_34 : memref<1x128xi32, #tpu.memory_space<vmem>> -> memref<128xi32, #tpu.memory_space<vmem>>
        %dma_start3A_36 = arith.constant 0 : i32
        %dma_start3A_37 = arith.constant 0 : i32
        %dma_start3A_38 = tpu.memref_slice %arg9[%dma_start3A_36, %dma_start3A_37] : memref<10240x128xf32, #tpu.memory_space<vmem_shared>> -> memref<10240x128xf32, #tpu.memory_space<vmem_shared>>
        tpu.enqueue_indirect_dma source(%arg8 : memref<128x128xf32, #tpu.memory_space<vmem>>) target(%dma_start3A_38 : memref<10240x128xf32, #tpu.memory_space<vmem_shared>>) offsets(%dma_start3A_35 : memref<128xi32, #tpu.memory_space<vmem>>) semaphore(%run_scoped3A : memref<!tpu.dma_semaphore, #tpu.memory_space<semaphore_mem>>) {add = true}
        %dma_wait3A_39 = arith.constant 0 : i32
        %dma_wait3A_40 = tpu.memref_slice %arg7[%add3A_22, %dma_wait3A_39] : memref<79x128xi32, #tpu.memory_space<vmem>> -> memref<1x128xi32, #tpu.memory_space<vmem>>
        %dma_wait3A_41 = tpu.memref_squeeze %dma_wait3A_40 : memref<1x128xi32, #tpu.memory_space<vmem>> -> memref<128xi32, #tpu.memory_space<vmem>>
        %dma_wait3A_42 = arith.constant 0 : i32
        %dma_wait3A_43 = arith.constant 0 : i32
        %dma_wait3A_44 = tpu.memref_slice %arg9[%dma_wait3A_42, %dma_wait3A_43] : memref<10240x128xf32, #tpu.memory_space<vmem_shared>> -> memref<10240x128xf32, #tpu.memory_space<vmem_shared>>
        tpu.wait_indirect_dma semaphore(%run_scoped3A : memref<!tpu.dma_semaphore, #tpu.memory_space<semaphore_mem>>) src(%arg8 : memref<128x128xf32, #tpu.memory_space<vmem>>) dst(%dma_wait3A_44 : memref<10240x128xf32, #tpu.memory_space<vmem_shared>>)
        tpu.yield
      }) : () -> ()
    }
    %scan3A_13 = arith.constant 79 : i32
    %barrier3A_14 = arith.constant 0 : index
    tpu.barrier barrier_id(%barrier3A_14)
    %scan3A_15 = arith.constant 0 : i32
    %scan3A_16 = arith.constant 5 : i32
    %scan3A_17 = arith.addi %scan3A_15, %scan3A_16 : i32
    %scan3A_18 = arith.constant 1 : i32
    scf.for %scan3A_20 = %scan3A_15 to %scan3A_17 step %scan3A_18  : i32 {
      %mul3A = arith.constant 1 : i32
      %mul3A_21 = arith.muli %scan3A_20, %mul3A : i32
      %add3A = arith.constant 0 : i32
      %add3A_22 = arith.addi %add3A, %mul3A_21 : i32
      %mul3A_23 = arith.constant 640 : i32
      %mul3A_24 = arith.muli %arg1, %mul3A_23 : i32
      %mul3A_25 = arith.constant 128 : i32
      %mul3A_26 = arith.muli %add3A_22, %mul3A_25 : i32
      %add3A_27 = arith.addi %mul3A_24, %mul3A_26 : i32
      "tpu.region"() ({
        %run_scoped3A = tpu.sem_alloc : memref<!tpu.dma_semaphore, #tpu.memory_space<semaphore_mem>>
        %dma_start3A = arith.constant 0 : i32
        %dma_start3A_28 = tpu.memref_slice %arg5[%arg0, %add3A_27, %dma_start3A] : memref<2x10240x128xf32, #tpu.memory_space<hbm>> -> memref<1x128x128xf32, #tpu.memory_space<hbm>>
        %dma_start3A_29 = tpu.memref_squeeze %dma_start3A_28 : memref<1x128x128xf32, #tpu.memory_space<hbm>> -> memref<128x128xf32, #tpu.memory_space<hbm>>
        %dma_start3A_30 = arith.constant 0 : i32
        %dma_start3A_31 = tpu.memref_slice %arg9[%add3A_27, %dma_start3A_30] : memref<10240x128xf32, #tpu.memory_space<vmem_shared>> -> memref<128x128xf32, #tpu.memory_space<vmem_shared>>
        tpu.enqueue_dma source(%dma_start3A_31 : memref<128x128xf32, #tpu.memory_space<vmem_shared>>) target(%dma_start3A_29 : memref<128x128xf32, #tpu.memory_space<hbm>>) target_semaphore(%run_scoped3A : memref<!tpu.dma_semaphore, #tpu.memory_space<semaphore_mem>>)
        %dma_wait3A = arith.constant 0 : i32
        %dma_wait3A_32 = tpu.memref_slice %arg5[%arg0, %add3A_27, %dma_wait3A] : memref<2x10240x128xf32, #tpu.memory_space<hbm>> -> memref<1x128x128xf32, #tpu.memory_space<hbm>>
        %dma_wait3A_33 = tpu.memref_squeeze %dma_wait3A_32 : memref<1x128x128xf32, #tpu.memory_space<hbm>> -> memref<128x128xf32, #tpu.memory_space<hbm>>
        %dma_wait3A_34 = arith.constant 0 : i32
        %dma_wait3A_35 = tpu.memref_slice %arg9[%add3A_27, %dma_wait3A_34] : memref<10240x128xf32, #tpu.memory_space<vmem_shared>> -> memref<128x128xf32, #tpu.memory_space<vmem_shared>>
        tpu.wait_dma2 semaphore(%run_scoped3A : memref<!tpu.dma_semaphore, #tpu.memory_space<semaphore_mem>>) src(%dma_wait3A_35 : memref<128x128xf32, #tpu.memory_space<vmem_shared>>) dst(%dma_wait3A_33 : memref<128x128xf32, #tpu.memory_space<hbm>>)
        tpu.yield
      }) : () -> ()
    }
    %scan3A_19 = arith.constant 5 : i32
    return
  }
}

module attributes {stable_mosaic.version = 14 : i64} {
  func.func @body(%arg0: i32, %arg1: memref<2000x128xf32, #tpu.memory_space<vmem>>, %arg2: memref<128x128xf32, #tpu.memory_space<vmem>>, %arg3: memref<2x2000x128xf32, #tpu.memory_space<vmem>>, %arg4: memref<2000x128xf32, #tpu.memory_space<vmem>>, %arg5: memref<2000x1xf32, #tpu.memory_space<vmem>>) attributes {dimension_semantics = [#tpu.dimension_semantics<arbitrary>], iteration_bounds = array<i64: 5>, scalar_prefetch = 0 : i64, scratch_operands = 0 : i64, tpu.core_type = #tpu.core_type<tc>, window_params = [{transform_indices = @transform_0, window_bounds = array<i64: 2000, 128>}, {pipeline_mode = #tpu.pipeline_mode<synchronous>, transform_indices = @transform_1, window_bounds = array<i64: 128, 128>}, {transform_indices = @transform_2, window_bounds = array<i64: 2, 2000, 128>}, {transform_indices = @transform_3, window_bounds = array<i64: 2000, 128>}, {transform_indices = @transform_4, window_bounds = array<i64: 2000, 1>}]} {
    %get3A = arith.constant 0 : index
    %get3A_0 = arith.constant 0 : index
    %get3A_1 = arith.constant 0 : index
    %get3A_2 = vector.load %arg3[%get3A, %get3A_0, %get3A_1] : memref<2x2000x128xf32, #tpu.memory_space<vmem>>, vector<1x2000x1xf32>
    %get3A_3 = vector.shape_cast %get3A_2 : vector<1x2000x1xf32> to vector<2000x1xf32>
    %get3A_4 = arith.constant 1 : index
    %get3A_5 = arith.constant 0 : index
    %get3A_6 = arith.constant 0 : index
    %get3A_7 = vector.load %arg3[%get3A_4, %get3A_5, %get3A_6] : memref<2x2000x128xf32, #tpu.memory_space<vmem>>, vector<1x2000x1xf32>
    %get3A_8 = vector.shape_cast %get3A_7 : vector<1x2000x1xf32> to vector<2000x1xf32>
    %add3A = arith.addf %get3A_3, %get3A_8 : vector<2000x1xf32>
    %add3A_9 = arith.constant 1.000000e+00 : f32
    %add3A_10 = vector.broadcast %add3A_9 : f32 to vector<2000x1xf32>
    %add3A_11 = arith.addf %add3A, %add3A_10 : vector<2000x1xf32>
    %rsqrt3A = math.rsqrt %add3A_11 : vector<2000x1xf32>
    %swap3A = arith.constant 0 : index
    %swap3A_12 = arith.constant 0 : index
    %swap3A_13 = vector.load %arg5[%swap3A, %swap3A_12] : memref<2000x1xf32, #tpu.memory_space<vmem>>, vector<2000x1xf32>
    tpu.vector_store %arg5[%swap3A, %swap3A_12], %rsqrt3A {strides = array<i32>} : memref<2000x1xf32, #tpu.memory_space<vmem>>, vector<2000x1xf32>,
    %get3A_14 = arith.constant 0 : index
    %get3A_15 = arith.constant 0 : index
    %get3A_16 = vector.load %arg1[%get3A_14, %get3A_15] : memref<2000x128xf32, #tpu.memory_space<vmem>>, vector<2000x128xf32>
    %get3A_17 = arith.constant 0 : index
    %get3A_18 = arith.constant 0 : index
    %get3A_19 = vector.load %arg2[%get3A_17, %get3A_18] : memref<128x128xf32, #tpu.memory_space<vmem>>, vector<128x128xf32>
    %dot_general3A = arith.constant dense<0.000000e+00> : vector<2000x128xf32>
    %dot_general3A_20 = tpu.matmul %get3A_16, %get3A_19, %dot_general3A {dimension_numbers = #tpu.dot_dimension_numbers<[1], [0], [0], [1], [0, 0, 1, 1], [], []>, transpose_lhs_hint = false} : vector<2000x128xf32>, vector<128x128xf32>, vector<2000x128xf32> -> vector<2000x128xf32>
    %mul3A = vector.broadcast %rsqrt3A : vector<2000x1xf32> to vector<2000x128xf32>
    %mul3A_21 = arith.mulf %dot_general3A_20, %mul3A : vector<2000x128xf32>
    %swap3A_22 = arith.constant 0 : index
    %swap3A_23 = arith.constant 0 : index
    %swap3A_24 = vector.load %arg4[%swap3A_22, %swap3A_23] : memref<2000x128xf32, #tpu.memory_space<vmem>>, vector<2000x128xf32>
    tpu.vector_store %arg4[%swap3A_22, %swap3A_23], %mul3A_21 {strides = array<i32>} : memref<2000x128xf32, #tpu.memory_space<vmem>>, vector<2000x128xf32>,
    return
  }
  func.func @transform_0(%arg0: i32) -> (i32, i32) {
    %c0_i32 = arith.constant 0 : i32
    %c0_i32_0 = arith.constant 0 : i32
    return %arg0, %c0_i32 : i32, i32
  }
  func.func @transform_1(%arg0: i32) -> (i32, i32) {
    %c0_i32 = arith.constant 0 : i32
    %c0_i32_0 = arith.constant 0 : i32
    %c0_i32_1 = arith.constant 0 : i32
    return %c0_i32, %c0_i32_0 : i32, i32
  }
  func.func @transform_2(%arg0: i32) -> (i32, i32, i32) {
    %c0_i32 = arith.constant 0 : i32
    %c0_i32_0 = arith.constant 0 : i32
    %c0_i32_1 = arith.constant 0 : i32
    return %c0_i32, %arg0, %c0_i32_0 : i32, i32, i32
  }
  func.func @transform_3(%arg0: i32) -> (i32, i32) {
    %c0_i32 = arith.constant 0 : i32
    %c0_i32_0 = arith.constant 0 : i32
    return %arg0, %c0_i32 : i32, i32
  }
  func.func @transform_4(%arg0: i32) -> (i32, i32) {
    %c0_i32 = arith.constant 0 : i32
    %c0_i32_0 = arith.constant 0 : i32
    return %arg0, %c0_i32 : i32, i32
  }
}

module attributes {stable_mosaic.version = 14 : i64} {
  func.func @body(%arg0: i32, %arg1: memref<2000x128xf32, #tpu.memory_space<vmem>>, %arg2: memref<2x2000x128xf32, #tpu.memory_space<vmem>>, %arg3: memref<2000x128xf32, #tpu.memory_space<vmem>>, %arg4: memref<2000x1xf32, #tpu.memory_space<vmem>>, %arg5: memref<1x128xf32, #tpu.memory_space<vmem>>, %arg6: memref<128x128xf32, #tpu.memory_space<vmem>>, %arg7: memref<2000x128xf32, #tpu.memory_space<vmem>>, %arg8: memref<2000x128xf32, #tpu.memory_space<vmem>>) attributes {dimension_semantics = [#tpu.dimension_semantics<arbitrary>], iteration_bounds = array<i64: 5>, scalar_prefetch = 0 : i64, scratch_operands = 0 : i64, tpu.core_type = #tpu.core_type<tc>, window_params = [{transform_indices = @transform_0, window_bounds = array<i64: 2000, 128>}, {transform_indices = @transform_1, window_bounds = array<i64: 2, 2000, 128>}, {transform_indices = @transform_2, window_bounds = array<i64: 2000, 128>}, {transform_indices = @transform_3, window_bounds = array<i64: 2000, 1>}, {pipeline_mode = #tpu.pipeline_mode<synchronous>, transform_indices = @transform_4, window_bounds = array<i64: 1, 128>}, {pipeline_mode = #tpu.pipeline_mode<synchronous>, transform_indices = @transform_5, window_bounds = array<i64: 128, 128>}, {transform_indices = @transform_6, window_bounds = array<i64: 2000, 128>}, {transform_indices = @transform_7, window_bounds = array<i64: 2000, 128>}]} {
    %get3A = arith.constant 0 : index
    %get3A_0 = arith.constant 0 : index
    %get3A_1 = vector.load %arg4[%get3A, %get3A_0] : memref<2000x1xf32, #tpu.memory_space<vmem>>, vector<2000x1xf32>
    %get3A_2 = arith.constant 0 : index
    %get3A_3 = arith.constant 0 : index
    %get3A_4 = arith.constant 0 : index
    %get3A_5 = vector.load %arg2[%get3A_2, %get3A_3, %get3A_4] : memref<2x2000x128xf32, #tpu.memory_space<vmem>>, vector<1x2000x128xf32>
    %get3A_6 = vector.shape_cast %get3A_5 : vector<1x2000x128xf32> to vector<2000x128xf32>
    %get3A_7 = arith.constant 1 : index
    %get3A_8 = arith.constant 0 : index
    %get3A_9 = arith.constant 0 : index
    %get3A_10 = vector.load %arg2[%get3A_7, %get3A_8, %get3A_9] : memref<2x2000x128xf32, #tpu.memory_space<vmem>>, vector<1x2000x128xf32>
    %get3A_11 = vector.shape_cast %get3A_10 : vector<1x2000x128xf32> to vector<2000x128xf32>
    %add3A = arith.addf %get3A_6, %get3A_11 : vector<2000x128xf32>
    %get3A_12 = arith.constant 0 : index
    %get3A_13 = arith.constant 0 : index
    %get3A_14 = vector.load %arg3[%get3A_12, %get3A_13] : memref<2000x128xf32, #tpu.memory_space<vmem>>, vector<2000x128xf32>
    %add3A_15 = arith.addf %add3A, %get3A_14 : vector<2000x128xf32>
    %mul3A = vector.broadcast %get3A_1 : vector<2000x1xf32> to vector<2000x128xf32>
    %mul3A_16 = arith.mulf %mul3A, %add3A_15 : vector<2000x128xf32>
    %get3A_17 = arith.constant 0 : index
    %get3A_18 = arith.constant 0 : index
    %get3A_19 = vector.load %arg5[%get3A_17, %get3A_18] : memref<1x128xf32, #tpu.memory_space<vmem>>, vector<1x128xf32>
    %add3A_20 = vector.broadcast %get3A_19 : vector<1x128xf32> to vector<2000x128xf32>
    %add3A_21 = arith.addf %mul3A_16, %add3A_20 : vector<2000x128xf32>
    %get3A_22 = arith.constant 0 : index
    %get3A_23 = arith.constant 0 : index
    %get3A_24 = vector.load %arg1[%get3A_22, %get3A_23] : memref<2000x128xf32, #tpu.memory_space<vmem>>, vector<2000x128xf32>
    %max3A = arith.constant 0.000000e+00 : f32
    %max3A_25 = vector.broadcast %max3A : f32 to vector<2000x128xf32>
    %max3A_26 = arith.maximumf %add3A_21, %max3A_25 : vector<2000x128xf32>
    %add3A_27 = arith.addf %get3A_24, %max3A_26 : vector<2000x128xf32>
    %swap3A = arith.constant 0 : index
    %swap3A_28 = arith.constant 0 : index
    %swap3A_29 = vector.load %arg7[%swap3A, %swap3A_28] : memref<2000x128xf32, #tpu.memory_space<vmem>>, vector<2000x128xf32>
    tpu.vector_store %arg7[%swap3A, %swap3A_28], %add3A_27 {strides = array<i32>} : memref<2000x128xf32, #tpu.memory_space<vmem>>, vector<2000x128xf32>,
    %get3A_30 = arith.constant 0 : index
    %get3A_31 = arith.constant 0 : index
    %get3A_32 = vector.load %arg6[%get3A_30, %get3A_31] : memref<128x128xf32, #tpu.memory_space<vmem>>, vector<128x128xf32>
    %dot_general3A = arith.constant dense<0.000000e+00> : vector<2000x128xf32>
    %dot_general3A_33 = tpu.matmul %add3A_27, %get3A_32, %dot_general3A {dimension_numbers = #tpu.dot_dimension_numbers<[1], [0], [0], [1], [0, 0, 1, 1], [], []>, transpose_lhs_hint = false} : vector<2000x128xf32>, vector<128x128xf32>, vector<2000x128xf32> -> vector<2000x128xf32>
    %mul3A_34 = vector.broadcast %get3A_1 : vector<2000x1xf32> to vector<2000x128xf32>
    %mul3A_35 = arith.mulf %dot_general3A_33, %mul3A_34 : vector<2000x128xf32>
    %swap3A_36 = arith.constant 0 : index
    %swap3A_37 = arith.constant 0 : index
    %swap3A_38 = vector.load %arg8[%swap3A_36, %swap3A_37] : memref<2000x128xf32, #tpu.memory_space<vmem>>, vector<2000x128xf32>
    tpu.vector_store %arg8[%swap3A_36, %swap3A_37], %mul3A_35 {strides = array<i32>} : memref<2000x128xf32, #tpu.memory_space<vmem>>, vector<2000x128xf32>,
    return
  }
  func.func @transform_0(%arg0: i32) -> (i32, i32) {
    %c0_i32 = arith.constant 0 : i32
    %c0_i32_0 = arith.constant 0 : i32
    return %arg0, %c0_i32 : i32, i32
  }
  func.func @transform_1(%arg0: i32) -> (i32, i32, i32) {
    %c0_i32 = arith.constant 0 : i32
    %c0_i32_0 = arith.constant 0 : i32
    %c0_i32_1 = arith.constant 0 : i32
    return %c0_i32, %arg0, %c0_i32_0 : i32, i32, i32
  }
  func.func @transform_2(%arg0: i32) -> (i32, i32) {
    %c0_i32 = arith.constant 0 : i32
    %c0_i32_0 = arith.constant 0 : i32
    return %arg0, %c0_i32 : i32, i32
  }
  func.func @transform_3(%arg0: i32) -> (i32, i32) {
    %c0_i32 = arith.constant 0 : i32
    %c0_i32_0 = arith.constant 0 : i32
    return %arg0, %c0_i32 : i32, i32
  }
  func.func @transform_4(%arg0: i32) -> (i32, i32) {
    %c0_i32 = arith.constant 0 : i32
    %c0_i32_0 = arith.constant 0 : i32
    %c0_i32_1 = arith.constant 0 : i32
    return %c0_i32, %c0_i32_0 : i32, i32
  }
  func.func @transform_5(%arg0: i32) -> (i32, i32) {
    %c0_i32 = arith.constant 0 : i32
    %c0_i32_0 = arith.constant 0 : i32
    %c0_i32_1 = arith.constant 0 : i32
    return %c0_i32, %c0_i32_0 : i32, i32
  }
  func.func @transform_6(%arg0: i32) -> (i32, i32) {
    %c0_i32 = arith.constant 0 : i32
    %c0_i32_0 = arith.constant 0 : i32
    return %arg0, %c0_i32 : i32, i32
  }
  func.func @transform_7(%arg0: i32) -> (i32, i32) {
    %c0_i32 = arith.constant 0 : i32
    %c0_i32_0 = arith.constant 0 : i32
    return %arg0, %c0_i32 : i32, i32
  }
}

module attributes {stable_mosaic.version = 14 : i64} {
  func.func @body(%arg0: i32, %arg1: memref<2000x128xf32, #tpu.memory_space<vmem>>, %arg2: memref<2x2000x128xf32, #tpu.memory_space<vmem>>, %arg3: memref<2000x128xf32, #tpu.memory_space<vmem>>, %arg4: memref<2000x1xf32, #tpu.memory_space<vmem>>, %arg5: memref<1x128xf32, #tpu.memory_space<vmem>>, %arg6: memref<128x128xf32, #tpu.memory_space<vmem>>, %arg7: memref<1x128xf32, #tpu.memory_space<vmem>>, %arg8: memref<2000x128xf32, #tpu.memory_space<vmem>>) attributes {dimension_semantics = [#tpu.dimension_semantics<arbitrary>], iteration_bounds = array<i64: 5>, scalar_prefetch = 0 : i64, scratch_operands = 0 : i64, tpu.core_type = #tpu.core_type<tc>, window_params = [{transform_indices = @transform_0, window_bounds = array<i64: 2000, 128>}, {transform_indices = @transform_1, window_bounds = array<i64: 2, 2000, 128>}, {transform_indices = @transform_2, window_bounds = array<i64: 2000, 128>}, {transform_indices = @transform_3, window_bounds = array<i64: 2000, 1>}, {pipeline_mode = #tpu.pipeline_mode<synchronous>, transform_indices = @transform_4, window_bounds = array<i64: 1, 128>}, {pipeline_mode = #tpu.pipeline_mode<synchronous>, transform_indices = @transform_5, window_bounds = array<i64: 128, 128>}, {pipeline_mode = #tpu.pipeline_mode<synchronous>, transform_indices = @transform_6, window_bounds = array<i64: 1, 128>}, {transform_indices = @transform_7, window_bounds = array<i64: 2000, 128>}]} {
    %get3A = arith.constant 0 : index
    %get3A_0 = arith.constant 0 : index
    %get3A_1 = vector.load %arg4[%get3A, %get3A_0] : memref<2000x1xf32, #tpu.memory_space<vmem>>, vector<2000x1xf32>
    %get3A_2 = arith.constant 0 : index
    %get3A_3 = arith.constant 0 : index
    %get3A_4 = arith.constant 0 : index
    %get3A_5 = vector.load %arg2[%get3A_2, %get3A_3, %get3A_4] : memref<2x2000x128xf32, #tpu.memory_space<vmem>>, vector<1x2000x128xf32>
    %get3A_6 = vector.shape_cast %get3A_5 : vector<1x2000x128xf32> to vector<2000x128xf32>
    %get3A_7 = arith.constant 1 : index
    %get3A_8 = arith.constant 0 : index
    %get3A_9 = arith.constant 0 : index
    %get3A_10 = vector.load %arg2[%get3A_7, %get3A_8, %get3A_9] : memref<2x2000x128xf32, #tpu.memory_space<vmem>>, vector<1x2000x128xf32>
    %get3A_11 = vector.shape_cast %get3A_10 : vector<1x2000x128xf32> to vector<2000x128xf32>
    %add3A = arith.addf %get3A_6, %get3A_11 : vector<2000x128xf32>
    %get3A_12 = arith.constant 0 : index
    %get3A_13 = arith.constant 0 : index
    %get3A_14 = vector.load %arg3[%get3A_12, %get3A_13] : memref<2000x128xf32, #tpu.memory_space<vmem>>, vector<2000x128xf32>
    %add3A_15 = arith.addf %add3A, %get3A_14 : vector<2000x128xf32>
    %mul3A = vector.broadcast %get3A_1 : vector<2000x1xf32> to vector<2000x128xf32>
    %mul3A_16 = arith.mulf %mul3A, %add3A_15 : vector<2000x128xf32>
    %get3A_17 = arith.constant 0 : index
    %get3A_18 = arith.constant 0 : index
    %get3A_19 = vector.load %arg5[%get3A_17, %get3A_18] : memref<1x128xf32, #tpu.memory_space<vmem>>, vector<1x128xf32>
    %add3A_20 = vector.broadcast %get3A_19 : vector<1x128xf32> to vector<2000x128xf32>
    %add3A_21 = arith.addf %mul3A_16, %add3A_20 : vector<2000x128xf32>
    %get3A_22 = arith.constant 0 : index
    %get3A_23 = arith.constant 0 : index
    %get3A_24 = vector.load %arg1[%get3A_22, %get3A_23] : memref<2000x128xf32, #tpu.memory_space<vmem>>, vector<2000x128xf32>
    %max3A = arith.constant 0.000000e+00 : f32
    %max3A_25 = vector.broadcast %max3A : f32 to vector<2000x128xf32>
    %max3A_26 = arith.maximumf %add3A_21, %max3A_25 : vector<2000x128xf32>
    %add3A_27 = arith.addf %get3A_24, %max3A_26 : vector<2000x128xf32>
    %get3A_28 = arith.constant 0 : index
    %get3A_29 = arith.constant 0 : index
    %get3A_30 = vector.load %arg6[%get3A_28, %get3A_29] : memref<128x128xf32, #tpu.memory_space<vmem>>, vector<128x128xf32>
    %dot_general3A = arith.constant dense<0.000000e+00> : vector<2000x128xf32>
    %dot_general3A_31 = tpu.matmul %add3A_27, %get3A_30, %dot_general3A {dimension_numbers = #tpu.dot_dimension_numbers<[1], [0], [0], [1], [0, 0, 1, 1], [], []>, transpose_lhs_hint = false} : vector<2000x128xf32>, vector<128x128xf32>, vector<2000x128xf32> -> vector<2000x128xf32>
    %get3A_32 = arith.constant 0 : index
    %get3A_33 = arith.constant 0 : index
    %get3A_34 = vector.load %arg7[%get3A_32, %get3A_33] : memref<1x128xf32, #tpu.memory_space<vmem>>, vector<1x128xf32>
    %add3A_35 = vector.broadcast %get3A_34 : vector<1x128xf32> to vector<2000x128xf32>
    %add3A_36 = arith.addf %dot_general3A_31, %add3A_35 : vector<2000x128xf32>
    %swap3A = arith.constant 0 : index
    %swap3A_37 = arith.constant 0 : index
    %swap3A_38 = vector.load %arg8[%swap3A, %swap3A_37] : memref<2000x128xf32, #tpu.memory_space<vmem>>, vector<2000x128xf32>
    tpu.vector_store %arg8[%swap3A, %swap3A_37], %add3A_36 {strides = array<i32>} : memref<2000x128xf32, #tpu.memory_space<vmem>>, vector<2000x128xf32>,
    return
  }
  func.func @transform_0(%arg0: i32) -> (i32, i32) {
    %c0_i32 = arith.constant 0 : i32
    %c0_i32_0 = arith.constant 0 : i32
    return %arg0, %c0_i32 : i32, i32
  }
  func.func @transform_1(%arg0: i32) -> (i32, i32, i32) {
    %c0_i32 = arith.constant 0 : i32
    %c0_i32_0 = arith.constant 0 : i32
    %c0_i32_1 = arith.constant 0 : i32
    return %c0_i32, %arg0, %c0_i32_0 : i32, i32, i32
  }
  func.func @transform_2(%arg0: i32) -> (i32, i32) {
    %c0_i32 = arith.constant 0 : i32
    %c0_i32_0 = arith.constant 0 : i32
    return %arg0, %c0_i32 : i32, i32
  }
  func.func @transform_3(%arg0: i32) -> (i32, i32) {
    %c0_i32 = arith.constant 0 : i32
    %c0_i32_0 = arith.constant 0 : i32
    return %arg0, %c0_i32 : i32, i32
  }
  func.func @transform_4(%arg0: i32) -> (i32, i32) {
    %c0_i32 = arith.constant 0 : i32
    %c0_i32_0 = arith.constant 0 : i32
    %c0_i32_1 = arith.constant 0 : i32
    return %c0_i32, %c0_i32_0 : i32, i32
  }
  func.func @transform_5(%arg0: i32) -> (i32, i32) {
    %c0_i32 = arith.constant 0 : i32
    %c0_i32_0 = arith.constant 0 : i32
    %c0_i32_1 = arith.constant 0 : i32
    return %c0_i32, %c0_i32_0 : i32, i32
  }
  func.func @transform_6(%arg0: i32) -> (i32, i32) {
    %c0_i32 = arith.constant 0 : i32
    %c0_i32_0 = arith.constant 0 : i32
    %c0_i32_1 = arith.constant 0 : i32
    return %c0_i32, %c0_i32_0 : i32, i32
  }
  func.func @transform_7(%arg0: i32) -> (i32, i32) {
    %c0_i32 = arith.constant 0 : i32
    %c0_i32_0 = arith.constant 0 : i32
    return %arg0, %c0_i32 : i32, i32
  }
}

</mosaic_0001>

<sc_bundles>
// kernel: kernel.10.cloned.1.call-start
scs
__scs_entry_jumppad:
0x0: {  	(pc) =	sbr.rel $0x88, $3  }
0x1: {  	(tag) =	ssettag $0x0;
	lr =	simm.s32 $0x1  }
0x2: {  	[smem:$0x3F97] =	sst lr;
	_ =	strace $0xD0000000  }
0x3: {  	_ = 	snop  }
0x4: {  	_ = 	snop  }
0x5: {  	_ = 	snop  }
0x6: {  	_ = 	snop  }
0x7: {  	_ = 	snop  }
__scs_overlays_trampoline_lowered:
0x8: {  	[smem:$0x3FA6] =	sst s0  }
0x9: {  	[smem:$0x3FA7] =	sst s1  }
0xa: {  	[smem:$0x3FA8] =	sst s2  }
0xb: {  	[smem:$0x3FA9] =	sst s3  }
0xc: {  	[smem:$0x3FAA] =	sst s4  }
0xd: {  	[smem:$0x3FAB] =	sst s5  }
0xe: {  	[smem:$0x3FAC] =	sst s6  }
0xf: {  	[smem:$0x3FAD] =	sst s7  }
0x10: {  	[smem:$0x3FAE] =	sst s8  }
0x11: {  	[smem:$0x3FAF] =	sst s9;
	s0 =	simm.s32 @!p0 $0x0  }
0x12: {  	s1 =	sld [smem:$0x3F95];
	s0 =	simm.s32 @p0 $0x1  }
0x13: {  	[smem:$0x3FB0] =	sst s0;
	s0 =	simm.s32 @!p1 $0x0  }
0x14: {  	s2 =	sld [smem:$0x3F94];
	s0 =	simm.s32 @p1 $0x1  }
0x15: {  	[smem:$0x3FB1] =	sst s0;
	s0 =	simm.s32 @!p2 $0x0  }
0x16: {  	s3 =	sld [smem:$0x3FDB];
	s0 =	simm.s32 @p2 $0x1  }
0x17: {  	s4 =	simm.s32 $0x1BF5;
	[smem:$0x3FB3] =	sst s0  }
0x18: {  	s0 =	sld [smem:$0x3F96];
	_ =	swait.ge [sflag:s4], $0x0  }
0x19: {  	s7 =	sld [smem:$0x3F97]  }
0x1a: {  	s8 =	sadd.s32 $0xFFFFE003, lr  }
0x1b: {  	s9 =	sadd.s32 $0xFFFFFEF7, lr;
	s5 =	simm.s32 $0xFFFFFFFF;
	p2 =	slt.u32 s8, $0xFFFFF086  }
0x1c: {  	p1 =	slt.u32 s9, $0xF7A;
	s5 =	simm.s32 @!p2 $0x0  }
0x1d: {  	s5 =	simm.s32 @p1 $0x1;
	p0 =	seq.s32 s7, s2  }
0x1e: {  	s7 =	smul.u32 @!p0 $0xF7A, s2;
	p2 =	seq.s32 @!p0 s5, $0x0  }
0x1f: {  	s9 =	smul.u32 $0xF7A, s1;
	s8 =	simm.s32 @!p0 $0x1BF5;
	p2 =	por !p2, p0  }
0x20: {  	[sflag:s8] =	ssyncset.s32 @!p0 $0xFFFFF086;
	s6 =	sadd.s32 @!p0 s3, s7;
	s7 =	simm.s32 @!p0 $0x108  }
0x21: {  	s3 =	sadd.s32 s3, s9;
	s6 =	sadd.s32 @!p0 $0x88, s6;
	s7 =	simm.s32 @p2 $0x1082  }
0x22: {  	[simem:s7], [sflag:s8] =	dma.local @!p0 [hbm:s6], $0xF7A  }
0x23: {  	s9 =	sor.u32 $0xD0000000, s2;
	s6 =	simm.s32 $0x108;
	_ =	swait.ge @!p0 [sflag:s8], $0x0  }
0x24: {  	s3 =	sadd.s32 $0x88, s3;
	s6 =	simm.s32 @!p1 $0x1082;
	[sflag:s4] =	ssyncset.s32 $0xFFFFF086  }
0x25: {  	[simem:s6], [sflag:s4] =	dma.local [hbm:s3], $0xF7A  }
0x26: {  	[smem:$0x3F97] =	sst s1;
	(tag) =	ssettag s2;
	_ =	strace s9  }
0x27: {  	s1 =	sld [smem:$0x3FA7]  }
0x28: {  	s2 =	sld [smem:$0x3FA8]  }
0x29: {  	s4 =	sld [smem:$0x3FAA]  }
0x2a: {  	p0 =	seq.s32 s5, $0x0;
	s5 =	sld [smem:$0x3FAB]  }
0x2b: {  	s6 =	sld [smem:$0x3FAC]  }
0x2c: {  	s7 =	sld [smem:$0x3FAD]  }
0x2d: {  	s3 =	simm.s32 $0x108;
	s8 =	sld [smem:$0x3FAE]  }
0x2e: {  	s3 =	simm.s32 @!p0 $0x1082;
	s9 =	sld [smem:$0x3FAF]  }
0x2f: {  	lr =	sadd.s32 s0, s3;
	s0 =	sld [smem:$0x3FA6]  }
0x30: {  	s3 =	sld [smem:$0x3FA9]  }
0x31: {  	[smem:$0x3FB2] =	sst s10  }
0x32: {  	s10 =	sld [smem:$0x3FB0];
	_ =	sdelay $0x3  }
0x33: {  	p0 =	seq.s32 s10, $0x1;
	s10 =	sld [smem:$0x3FB2];
	_ =	sdelay $0x3  }
0x34: {  	[smem:$0x3FB2] =	sst s10  }
0x35: {  	s10 =	sld [smem:$0x3FB1];
	_ =	sdelay $0x3  }
0x36: {  	p1 =	seq.s32 s10, $0x1;
	s10 =	sld [smem:$0x3FB2];
	_ =	sdelay $0x3  }
0x37: {  	[smem:$0x3FB2] =	sst s10  }
0x38: {  	s10 =	sld [smem:$0x3FB3]  }
0x39: {  	_ = 	snop;
	(pc) =	sbr.ind lr, $3  }
0x3a: {  	_ = 	snop  }
0x3b: {  	_ = 	snop  }
0x3c: {  	p2 =	seq.s32 s10, $0x1;
	s10 =	sld [smem:$0x3FB2]  }
0x3d: {  	_ =	shalt  }
0x3e: {  	_ =	shalt  }
0x3f: {  	_ =	shalt  }
0x40: {  	_ =	shalt  }
0x41: {  	_ =	shalt  }
0x42: {  	_ =	shalt  }
0x43: {  	_ =	shalt  }
0x44: {  	_ =	shalt  }
0x45: {  	_ =	shalt  }
0x46: {  	_ =	shalt  }
0x47: {  	_ =	shalt  }
0x48: {  	_ =	shalt  }
0x49: {  	_ =	shalt  }
0x4a: {  	_ =	shalt  }
0x4b: {  	_ =	shalt  }
0x4c: {  	_ =	shalt  }
0x4d: {  	_ =	shalt  }
0x4e: {  	_ =	shalt  }
0x4f: {  	_ =	shalt  }
0x50: {  	_ =	shalt  }
0x51: {  	_ =	shalt  }
0x52: {  	_ =	shalt  }
0x53: {  	_ =	shalt  }
0x54: {  	_ =	shalt  }
0x55: {  	_ =	shalt  }
0x56: {  	_ =	shalt  }
0x57: {  	_ =	shalt  }
0x58: {  	_ =	shalt  }
0x59: {  	_ =	shalt  }
0x5a: {  	_ =	shalt  }
0x5b: {  	_ =	shalt  }
0x5c: {  	_ =	shalt  }
0x5d: {  	_ =	shalt  }
0x5e: {  	_ =	shalt  }
0x5f: {  	_ =	shalt  }
0x60: {  	_ =	shalt  }
0x61: {  	_ =	shalt  }
0x62: {  	_ =	shalt  }
0x63: {  	_ =	shalt  }
0x64: {  	_ =	shalt  }
0x65: {  	_ =	shalt  }
0x66: {  	_ =	shalt  }
0x67: {  	_ =	shalt  }
0x68: {  	_ =	shalt  }
0x69: {  	_ =	shalt  }
0x6a: {  	_ =	shalt  }
0x6b: {  	_ =	shalt  }
0x6c: {  	_ =	shalt  }
0x6d: {  	_ =	shalt  }
0x6e: {  	_ =	shalt  }
0x6f: {  	_ =	shalt  }
0x70: {  	_ =	shalt  }
0x71: {  	_ =	shalt  }
0x72: {  	_ =	shalt  }
0x73: {  	_ =	shalt  }
0x74: {  	_ =	shalt  }
0x75: {  	_ =	shalt  }
0x76: {  	_ =	shalt  }
0x77: {  	_ =	shalt  }
0x78: {  	_ =	shalt  }
0x79: {  	_ =	shalt  }
0x7a: {  	_ =	shalt  }
0x7b: {  	_ =	shalt  }
0x7c: {  	_ =	shalt  }
0x7d: {  	_ =	shalt  }
0x7e: {  	_ =	shalt  }
0x7f: {  	_ =	shalt  }
0x80: {  	_ =	shalt  }
0x81: {  	_ =	shalt  }
0x82: {  	_ =	shalt  }
0x83: {  	_ =	shalt  }
0x84: {  	_ =	shalt  }
0x85: {  	_ =	shalt  }
0x86: {  	_ =	shalt  }
0x87: {  	_ =	shalt  }
.Lfunc_end0:
.L_simem_size_0:
called_computation_lowered:
.L_overlay_start_0:
0x88: {  	s2 =	sld [smem:$0x3FD9]  }
0x89: {  	s3 =	sld [smem:$0x3FFE];
	_ =	sdelay $0x1  }
0x8a: {  	s1 =	srdreg.scid  }
0x8b: {  	s0 =	sand.u32 $0x1, s1  }
0x8c: {  	s16 =	sshll.u32 s0, $0xA;
	s2 =	sadd.s32 s3, s2  }
0x8d: {  	s2 =	sadd.s32 s2, s16  }
0x8e: {  	[smem:$0x3FBE] =	sst s2  }
0x8f: {  	_ = 	snop  }
0x90: {  	(tm) =	ssettm $0x1  }
0x91: {  	s17 =	sld [smem:$0x3FFB];
	_ =	sdelay $0x3  }
0x92: {  	_ =	strace s17  }
0x93: {  	s2 =	sld [smem:$0x3FFC];
	_ =	sdelay $0x3  }
0x94: {  	_ =	strace s2  }
0x95: {  	s2 =	sld [smem:$0x3FFD];
	_ =	sdelay $0x3  }
0x96: {  	_ =	strace s2  }
0x97: {  	_ =	strace $0x8FFFFFFF  }
0x98: {  	s18 =	sld [smem:$0x3FDB];
	_ =	sdelay $0x1  }
0x99: {  	s19 =	simm.s32 $_scs_section_size  }
0x9a: {  	s4 =	simm.s32 $_size__tile_overlayer_lowered;
	s5 =	simm.s32 $_tile_overlayer_lowered  }
0x9b: {  	s22 =	simm.s32 $0x1BFF;
	s21 =	sshll.u32 s5, $0x1;
	s2 =	sadd.s32 s19, s18  }
0x9c: {  	s6 =	simm.s32 $0x0;
	s20 =	sshll.u32 s4, $0x1;
	s4 =	sadd.s32 s21, s2  }
0x9d: {  	[timem:s6], [sflag:s22] =	dma.local [hbm:s4], s20  }
0x9e: {  	_ =	swait.ge [sflag:s22], s20  }
0x9f: {  	s3 =	ssub.s32 $0x0, s20;
	[sflag:s22] =	ssyncset.done $0x0  }
0xa0: {  	[sflag:s22] =	ssyncadd.s32 s3;
	_ =	sdelay $0x1  }
0xa1: {  	s23 =	simm.s32 $0x1B8B  }
0xa2: {  	_ =	swait.ge [sflag:s23], $0x1  }
0xa3: {  	[sflag:s23] =	ssyncset.done $0x0  }
0xa4: {  	s25 =	simm.s32 $0x1B8E;
	s24 =	sld [smem:$0x3FFE];
	[sflag:s23] =	ssyncadd.s32 $0xFFFFFFFF  }
0xa5: {  	s26 =	simm.s32 $execute0_lowered;
	[smem:$0x3FD2] =	sst s25  }
0xa6: {  	s4 =	sshll.u32 s26, $0x1;
	_ =	strace $0x80000046;
	[dreg:$0x1] =	wrdreg $0xFFFFFFFF  }
0xa7: {  	s28 =	simm.s32 $_size_execute0_lowered;
	s2 =	sadd.s32 s2, s4;
	[dreg:$0x0] =	wrdreg $0x0  }
0xa8: {  	s4 =	sshll.u32 s28, $0x1;
	[dreg:$0x2] =	wrdreg s2  }
0xa9: {  	[dreg:$0x3] =	wrdreg s4  }
0xaa: {  	[dreg:$0x4] =	wrdreg $0xC0  }
0xab: {  	_ =	task [dreg:s6], $0x5FFFF  }
0xac: {  	[dreg:$0x1] =	wrdreg $0xFFFFFFFF  }
0xad: {  	[dreg:$0x0] =	wrdreg $0x60  }
0xae: {  	[dreg:$0x2] =	wrdreg s24  }
0xaf: {  	[dreg:$0x3] =	wrdreg $0x68000  }
0xb0: {  	[dreg:$0x4] =	wrdreg $0x9  }
0xb1: {  	_ =	task.clear_ibuf [dreg:s6], $0x5FFFF;
	_ =	strace $0x90000046  }
0xb2: {  	s29 =	simm.s32 $0x9;
	_ =	strace $0x80000048  }
0xb3: {  	_ =	swait.ge [sflag:s29], $0x1  }
0xb4: {  	[sflag:s29] =	ssyncadd.s32 $0xFFFFFFFF  }
0xb5: {  	_ =	strace $0x90000048  }
0xb6: {  	_ =	sfence  }
0xb7: {  	s30 =	sld [smem:$0x0];
	_ =	sdelay $0x2  }
0xb8: {  	s31 =	sshll.u32 s1, $0xD;
	s1 =	sshrl.u32 s1, $0x2  }
0xb9: {  	s3 =	sand.u32 $0x4000, s31;
	s1 =	sadd.s32 s1, s30  }
0xba: {  	s0 =	sor.u32 s3, s0;
	s1 =	sshll.u32 s1, $0x11  }
0xbb: {  	s0 =	sor.u32 s1, s0  }
0xbc: {  	s0 =	sadd.s32 $0x8F2B, s0  }
0xbd: {  	[sflag:s0] =	ssyncadd.remote.s32 $0x1  }
0xbe: {  	_ =	sfence.sel $0xFFFF  }
0xbf: {  	[dreg:$0x0] =	wrdreg $0xFFFFFFFF;
	(pc) =	sbr.abs _section_cstart, $3  }
0xc0: {  	[dreg:$0x1] =	wrdreg $0xFFFFFFFF  }
0xc1: {  	_ =	task.clear_ibuf [dreg:s6], $0x2FFFF;
	_ =	strace $0x9FFFFFFF  }
0xc2: {  	(tm) =	ssettm $0x7FFFFFFF  }
0xc3: {  	_ =	shalt  }
tec
execute0_lowered:
.L_overlay_start_1:
0x0: {  	(tag) =	ssettag $0x1  }
0x1: {  	s1 =	stileid.u32  }
0x2: {  	s4 =	rddreg [dreg:$0x0];
	s7 =	smul.u32 $0x2800, s1  }
0x3: {  	s0 =	srdreg.scid;
	s8 =	smul.u32 $0x50000, s1  }
0x4: {  	s2 =	rddreg [dreg:$0x1];
	s5 =	sand.u32 $0x1, s0;
	s15 =	smul.u32 $0x14000, s1  }
0x5: {  	s3 =	simm.s32 $0x0;
	s0 =	rddreg [dreg:$0x2];
	s6 =	smul.u32 $0x28000, s5  }
0x6: {  	[smem:$0x7FF] =	sst s3;
	s14 =	smul.u32 $0x140000, s5;
	s5 =	ssub.s32 $0x2, s5  }
0x7: {  	s16 =	sadd.s32 $0xF400, s4;
	_ =	strace $0x80000047;
	s21 =	sshrl.u32 s5, $0x1  }
0x8: {  	s23 =	sshrl.u32 s8, $0x2;
	s13 =	sadd.s32 $0x4000, s15;
	s17 =	sadd.s32 $0x8000, s15  }
0x9: {  	s28 =	sadd.s32 $0xC000, s15;
	s6 =	sadd.s32 s7, s6;
	s22 =	ssub.s32 s5, s21  }
0xa: {  	s24 =	sadd.s32 s14, s15;
	s11 =	sadd.s32 s14, s13;
	s18 =	sadd.s32 s14, s17  }
0xb: {  	s19 =	sadd.s32 s13, s2;
	s20 =	sadd.s32 s14, s28;
	s21 =	sadd.s32 $0x10000, s15  }
0xc: {  	s6 =	sshrl.u32 s6, $0x3;
	s25 =	sshrl.u32 s24, $0x3;
	s7 =	smax.u32 s22, $0x1  }
0xd: {  	s12 =	sshrl.u32 s11, $0x3;
	s26 =	sshrl.u32 s18, $0x3;
	s22 =	sadd.s32 s17, s2  }
0xe: {  	s29 =	sshrl.u32 s20, $0x3;
	s30 =	sadd.s32 s14, s21;
	s24 =	sadd.s32 s21, s2  }
0xf: {  	s17 =	simm.s32 $0x1;
	s18 =	simm.s32 $0x80;
	s19 =	sshrl.u32 s19, $0x3  }
0x10: {  	s6 =	sadd.s32 s6, s4;
	s4 =	sadd.s32 s23, s2;
	s12 =	sadd.s32 s16, s12  }
0x11: {  	s13 =	sadd.s32 s16, s26;
	s14 =	sadd.s32 s16, s29;
	s23 =	sadd.s32 s28, s2  }
0x12: {  	s31 =	sshrl.u32 s30, $0x3;
	s20 =	sshrl.u32 s22, $0x3;
	s22 =	sshrl.u32 s24, $0x3  }
0x13: {  	s5 =	sadd.s32 $0x5400, s6;
	s6 =	sadd.s32 s16, s25;
	s8 =	sadd.s32 $0x4000, s4  }
0x14: {  	s9 =	sadd.s32 $0x8000, s4;
	s10 =	sadd.s32 $0xC000, s4;
	s11 =	sadd.s32 $0x10000, s4  }
0x15: {  	v0 =	vimm.f32 $0.0e+00;
	v1 =	vimm.f32 $1.000000000e+00;
	s15 =	sadd.s32 s16, s31;
	s16 =	simm.s32 $0x2800;
	s21 =	sshrl.u32 s23, $0x3  }
.LBB2_1:
0x16: {  	s23 =	simm.s32 $0x0;
	s24 =	simm.s32 $0x200  }
.LBB2_2:
0x17: {  	p0 =	sne.s32 s24, $0xFE00;
	[tilespmem:s23+$0x2870] =	vst v0  }
0x18: {  	[tilespmem:s23+$0x2800] =	vst v0  }
0x19: {  	[tilespmem:s23+$0x2810] =	vst v0  }
.Ltmp0:
0x1a: {  	[tilespmem:s23+$0x2820] =	vst v0;
	(pc) =	sbr.rel @p0 .LBB2_2-.Ltmp0, $4  }
0x1b: {  	[tilespmem:s23+$0x2830] =	vst v0  }
0x1c: {  	[tilespmem:s23+$0x2840] =	vst v0  }
0x1d: {  	[tilespmem:s23+$0x2850] =	vst v0  }
0x1e: {  	[tilespmem:s23+$0x2860] =	vst v0;
	s23 =	sshra.s32 s24, $0x2;
	s24 =	sadd.s32 $0x200, s24  }
0x1f: {  	[tilespmem:s23+$0x2870] =	vst v0  }
0x20: {  	[tilespmem:s23+$0x2800] =	vst v0  }
0x21: {  	[tilespmem:s23+$0x2810] =	vst v0  }
0x22: {  	[tilespmem:s23+$0x2820] =	vst v0  }
0x23: {  	[tilespmem:s23+$0x2830] =	vst v0  }
0x24: {  	[tilespmem:s23+$0x2840] =	vst v0  }
0x25: {  	[tilespmem:s23+$0x2850] =	vst v0  }
0x26: {  	[tilespmem:s23+$0x2860] =	vst v0  }
0x27: {  	[spmem:s4] =	stream.linear.scatter [tilespmem:s16], [sflag:$0x1], $0x4000, $0x38;
	[tilespmem:$0x1A800] =	vst v63  }
0x28: {  	_ =	swait.ge [sflag:s17], $0x4000  }
0x29: {  	[sflag:s17] =	ssyncset.done $0x0  }
0x2a: {  	[sflag:s17] =	ssyncadd.s32 $0xFFFFC000  }
0x2b: {  	[spmem:s8] =	stream.linear.scatter [tilespmem:s16], [sflag:$0x1], $0x4000, $0x38;
	[tilespmem:$0x1A800] =	vst v63  }
0x2c: {  	_ =	swait.ge [sflag:s17], $0x4000  }
0x2d: {  	[sflag:s17] =	ssyncset.done $0x0  }
0x2e: {  	[sflag:s17] =	ssyncadd.s32 $0xFFFFC000  }
0x2f: {  	[spmem:s9] =	stream.linear.scatter [tilespmem:s16], [sflag:$0x1], $0x4000, $0x38;
	[tilespmem:$0x1A800] =	vst v63  }
0x30: {  	_ =	swait.ge [sflag:s17], $0x4000  }
0x31: {  	[sflag:s17] =	ssyncset.done $0x0  }
0x32: {  	[sflag:s17] =	ssyncadd.s32 $0xFFFFC000  }
0x33: {  	[spmem:s10] =	stream.linear.scatter [tilespmem:s16], [sflag:$0x1], $0x4000, $0x38;
	[tilespmem:$0x1A800] =	vst v63  }
0x34: {  	_ =	swait.ge [sflag:s17], $0x4000  }
0x35: {  	[sflag:s17] =	ssyncset.done $0x0  }
0x36: {  	[sflag:s17] =	ssyncadd.s32 $0xFFFFC000  }
0x37: {  	[spmem:s11] =	stream.linear.scatter [tilespmem:s16], [sflag:$0x1], $0x4000, $0x38;
	[tilespmem:$0x1A800] =	vst v63  }
0x38: {  	_ =	swait.ge [sflag:s17], $0x4000  }
0x39: {  	[sflag:s17] =	ssyncset.done $0x0  }
0x3a: {  	s23 =	simm.s32 $0x0;
	s24 =	simm.s32 $0x200;
	[sflag:s17] =	ssyncadd.s32 $0xFFFFC000  }
.LBB2_4:
0x3b: {  	p0 =	sne.s32 s24, $0xFE00;
	[tilespmem:s23+$0x2870] =	vst v1  }
0x3c: {  	[tilespmem:s23+$0x2800] =	vst v1  }
0x3d: {  	[tilespmem:s23+$0x2810] =	vst v1  }
.Ltmp1:
0x3e: {  	[tilespmem:s23+$0x2820] =	vst v1;
	(pc) =	sbr.rel @p0 .LBB2_4-.Ltmp1, $4  }
0x3f: {  	[tilespmem:s23+$0x2830] =	vst v1  }
0x40: {  	[tilespmem:s23+$0x2840] =	vst v1  }
0x41: {  	[tilespmem:s23+$0x2850] =	vst v1  }
0x42: {  	[tilespmem:s23+$0x2860] =	vst v1;
	s23 =	sshra.s32 s24, $0x2;
	s24 =	sadd.s32 $0x200, s24  }
0x43: {  	[tilespmem:s23+$0x2870] =	vst v1  }
0x44: {  	[tilespmem:s23+$0x2800] =	vst v1  }
0x45: {  	[tilespmem:s23+$0x2810] =	vst v1  }
0x46: {  	[tilespmem:s23+$0x2820] =	vst v1  }
0x47: {  	[tilespmem:s23+$0x2830] =	vst v1  }
0x48: {  	[tilespmem:s23+$0x2840] =	vst v1  }
0x49: {  	[tilespmem:s23+$0x2850] =	vst v1  }
0x4a: {  	[tilespmem:s23+$0x2860] =	vst v1;
	s30 =	simm.s32 $0x0  }
0x4b: {  	[tilespmem:s30], [sflag:$0x1] =	stream.linear.gather [hbm4b:s5+s30], $0x2780, $0x38;
	[tilespmem:$0x1A800] =	vst v63  }
0x4c: {  	_ =	swait.ge [sflag:s17], $0x2780  }
0x4d: {  	[sflag:s17] =	ssyncset.done $0x0  }
0x4e: {  	[sflag:s17] =	ssyncadd.s32 $0xFFFFD880  }
0x4f: {  	s31 =	simm.s32 $0x0;
	[bflag:$0x0] =	sbarrier.arrive $0xFFFF  }
0x50: {  	[spmem:s2] =	stream.indirect.scatter.add.f32 [tilespmem:s16], [sflag:$0x1], $0x80, s31, s18, $0xb8;
	[tilespmem:$0x1A800] =	vst v63  }
0x51: {  	_ =	swait.ge [sflag:s17], $0x4000  }
0x52: {  	s23 =	simm.s32 $0x200;
	[sflag:s17] =	ssyncset.done $0x0  }
.LBB2_6:
0x53: {  	s24 =	sshra.s32 s23, $0x2;
	[sflag:s17] =	ssyncadd.s32 $0xFFFFC000;
	p0 =	sne.s32 s23, $0x9C00  }
0x54: {  	[spmem:s2] =	stream.indirect.scatter.add.f32 [tilespmem:s16], [sflag:$0x1], $0x80, s24, s18, $0xb8;
	[tilespmem:$0x1A800] =	vst v63  }
.Ltmp2:
0x55: {  	_ = 	snop;
	(pc) =	sbr.rel @p0 .LBB2_6-.Ltmp2, $4  }
0x56: {  	_ = 	snop  }
0x57: {  	s23 =	sadd.s32 $0x200, s23  }
0x58: {  	_ =	swait.ge [sflag:s17], $0x4000  }
0x59: {  	[sflag:s17] =	ssyncset.done $0x0  }
0x5a: {  	[sflag:s17] =	ssyncadd.s32 $0xFFFFC000;
	s23 =	sshll.u32 s1, $0x6  }
0x5b: {  	s24 =	sshrl.u32 s4, $0x3;
	[bflag:$0x0] =	sbarrier.arrive $0xFFFF;
	s23 =	sor.u32 $0x1C01, s23  }
0x5c: {  	[hbm:s6], [sflag:s23] =	dma.local [spmem:s24], $0x800  }
0x5d: {  	_ =	swait.ge [sflag:s17], $0x800  }
0x5e: {  	[sflag:s17] =	ssyncset.done $0x0  }
0x5f: {  	[sflag:s17] =	ssyncadd.s32 $0xFFFFF800  }
0x60: {  	[hbm:s12], [sflag:s23] =	dma.local [spmem:s19], $0x800  }
0x61: {  	_ =	swait.ge [sflag:s17], $0x800  }
0x62: {  	[sflag:s17] =	ssyncset.done $0x0  }
0x63: {  	[sflag:s17] =	ssyncadd.s32 $0xFFFFF800  }
0x64: {  	[hbm:s13], [sflag:s23] =	dma.local [spmem:s20], $0x800  }
0x65: {  	_ =	swait.ge [sflag:s17], $0x800  }
0x66: {  	[sflag:s17] =	ssyncset.done $0x0  }
0x67: {  	[sflag:s17] =	ssyncadd.s32 $0xFFFFF800  }
0x68: {  	[hbm:s14], [sflag:s23] =	dma.local [spmem:s21], $0x800  }
0x69: {  	s3 =	sadd.s32 $0x1, s3;
	_ =	swait.ge [sflag:s17], $0x800  }
0x6a: {  	p0 =	sne.s32 s3, s7;
	[sflag:s17] =	ssyncset.done $0x0  }
.Ltmp3:
0x6b: {  	[sflag:s17] =	ssyncadd.s32 $0xFFFFF800;
	(pc) =	sbr.rel @p0 .LBB2_1-.Ltmp3, $4  }
0x6c: {  	[hbm:s15], [sflag:s23] =	dma.local [spmem:s22], $0x800  }
0x6d: {  	_ =	swait.ge [sflag:s17], $0x800  }
0x6e: {  	[sflag:s17] =	ssyncset.done $0x0  }
0x6f: {  	[sflag:s17] =	ssyncadd.s32 $0xFFFFF800  }
0x70: {  	_ =	sfence.sel $0x180000  }
0x71: {  	[bflag:$0x0] =	sbarrier.arrive $0xFFFF  }
0x72: {  	p0 =	sne.s32 s1, $0x0;
	_ =	strace $0x90000047  }
0x73: {  	s0 =	sadd.s32 @!p0 $0x100000, s0;
	[bflag:$0x2] =	sbarrier.arrive $0xFFFF  }
0x74: {  	[sflag:s0] =	ssyncadd.tile.s32 @!p0 $0x1;
	_ =	shalt  }
.Lfunc_end2:
_tile_overlayer_lowered:
.L_overlay_start_2:
0x75: {  	(tag) =	ssettag $0x2  }
0x76: {  	s0 =	rddreg [dreg:$0x0];
	s2 =	stileid.u32  }
0x77: {  	s1 =	rddreg [dreg:$0x1];
	p0 =	sne.s32 s2, $0x0  }
0x78: {  	s3 =	rddreg [dreg:$0x2];
	[bflag:$0x3] =	sbarrier.arrive $0xFFFF;
	s2 =	simm.s32 @!p0 $0x1C01  }
0x79: {  	[timem:s3], [sflag:s2] =	dma.local @!p0 [hbm:s0], s1  }
0x7a: {  	s0 =	simm.s32 @!p0 $0x1  }
0x7b: {  	_ =	swait.ge @!p0 [sflag:s0], s1  }
0x7c: {  	s1 =	ssub.s32 @!p0 $0x0, s1;
	[sflag:s0] =	ssyncset.done @!p0 $0x0  }
0x7d: {  	[sflag:s0] =	ssyncadd.s32 @!p0 s1  }
0x7e: {  	[bflag:$0x3] =	sbarrier.arrive $0xFFFF  }
0x7f: {  	_ =	shalt  }

// kernel: kernel.13.cloned.1.call-start
scs
__scs_entry_jumppad:
0x0: {  	(pc) =	sbr.rel $0x88, $3  }
0x1: {  	(tag) =	ssettag $0x0;
	lr =	simm.s32 $0x1  }
0x2: {  	[smem:$0x3F97] =	sst lr;
	_ =	strace $0xD0000000  }
0x3: {  	_ = 	snop  }
0x4: {  	_ = 	snop  }
0x5: {  	_ = 	snop  }
0x6: {  	_ = 	snop  }
0x7: {  	_ = 	snop  }
__scs_overlays_trampoline_lowered:
0x8: {  	[smem:$0x3FA6] =	sst s0  }
0x9: {  	[smem:$0x3FA7] =	sst s1  }
0xa: {  	[smem:$0x3FA8] =	sst s2  }
0xb: {  	[smem:$0x3FA9] =	sst s3  }
0xc: {  	[smem:$0x3FAA] =	sst s4  }
0xd: {  	[smem:$0x3FAB] =	sst s5  }
0xe: {  	[smem:$0x3FAC] =	sst s6  }
0xf: {  	[smem:$0x3FAD] =	sst s7  }
0x10: {  	[smem:$0x3FAE] =	sst s8  }
0x11: {  	[smem:$0x3FAF] =	sst s9;
	s0 =	simm.s32 @!p0 $0x0  }
0x12: {  	s1 =	sld [smem:$0x3F95];
	s0 =	simm.s32 @p0 $0x1  }
0x13: {  	[smem:$0x3FB0] =	sst s0;
	s0 =	simm.s32 @!p1 $0x0  }
0x14: {  	s2 =	sld [smem:$0x3F94];
	s0 =	simm.s32 @p1 $0x1  }
0x15: {  	[smem:$0x3FB1] =	sst s0;
	s0 =	simm.s32 @!p2 $0x0  }
0x16: {  	s3 =	sld [smem:$0x3FDB];
	s0 =	simm.s32 @p2 $0x1  }
0x17: {  	s4 =	simm.s32 $0x1BF5;
	[smem:$0x3FB3] =	sst s0  }
0x18: {  	s0 =	sld [smem:$0x3F96];
	_ =	swait.ge [sflag:s4], $0x0  }
0x19: {  	s7 =	sld [smem:$0x3F97]  }
0x1a: {  	s8 =	sadd.s32 $0xFFFFE003, lr  }
0x1b: {  	s9 =	sadd.s32 $0xFFFFFEF7, lr;
	s5 =	simm.s32 $0xFFFFFFFF;
	p2 =	slt.u32 s8, $0xFFFFF086  }
0x1c: {  	p1 =	slt.u32 s9, $0xF7A;
	s5 =	simm.s32 @!p2 $0x0  }
0x1d: {  	s5 =	simm.s32 @p1 $0x1;
	p0 =	seq.s32 s7, s2  }
0x1e: {  	s7 =	smul.u32 @!p0 $0xF7A, s2;
	p2 =	seq.s32 @!p0 s5, $0x0  }
0x1f: {  	s9 =	smul.u32 $0xF7A, s1;
	s8 =	simm.s32 @!p0 $0x1BF5;
	p2 =	por !p2, p0  }
0x20: {  	[sflag:s8] =	ssyncset.s32 @!p0 $0xFFFFF086;
	s6 =	sadd.s32 @!p0 s3, s7;
	s7 =	simm.s32 @!p0 $0x108  }
0x21: {  	s3 =	sadd.s32 s3, s9;
	s6 =	sadd.s32 @!p0 $0x88, s6;
	s7 =	simm.s32 @p2 $0x1082  }
0x22: {  	[simem:s7], [sflag:s8] =	dma.local @!p0 [hbm:s6], $0xF7A  }
0x23: {  	s9 =	sor.u32 $0xD0000000, s2;
	s6 =	simm.s32 $0x108;
	_ =	swait.ge @!p0 [sflag:s8], $0x0  }
0x24: {  	s3 =	sadd.s32 $0x88, s3;
	s6 =	simm.s32 @!p1 $0x1082;
	[sflag:s4] =	ssyncset.s32 $0xFFFFF086  }
0x25: {  	[simem:s6], [sflag:s4] =	dma.local [hbm:s3], $0xF7A  }
0x26: {  	[smem:$0x3F97] =	sst s1;
	(tag) =	ssettag s2;
	_ =	strace s9  }
0x27: {  	s1 =	sld [smem:$0x3FA7]  }
0x28: {  	s2 =	sld [smem:$0x3FA8]  }
0x29: {  	s4 =	sld [smem:$0x3FAA]  }
0x2a: {  	p0 =	seq.s32 s5, $0x0;
	s5 =	sld [smem:$0x3FAB]  }
0x2b: {  	s6 =	sld [smem:$0x3FAC]  }
0x2c: {  	s7 =	sld [smem:$0x3FAD]  }
0x2d: {  	s3 =	simm.s32 $0x108;
	s8 =	sld [smem:$0x3FAE]  }
0x2e: {  	s3 =	simm.s32 @!p0 $0x1082;
	s9 =	sld [smem:$0x3FAF]  }
0x2f: {  	lr =	sadd.s32 s0, s3;
	s0 =	sld [smem:$0x3FA6]  }
0x30: {  	s3 =	sld [smem:$0x3FA9]  }
0x31: {  	[smem:$0x3FB2] =	sst s10  }
0x32: {  	s10 =	sld [smem:$0x3FB0];
	_ =	sdelay $0x3  }
0x33: {  	p0 =	seq.s32 s10, $0x1;
	s10 =	sld [smem:$0x3FB2];
	_ =	sdelay $0x3  }
0x34: {  	[smem:$0x3FB2] =	sst s10  }
0x35: {  	s10 =	sld [smem:$0x3FB1];
	_ =	sdelay $0x3  }
0x36: {  	p1 =	seq.s32 s10, $0x1;
	s10 =	sld [smem:$0x3FB2];
	_ =	sdelay $0x3  }
0x37: {  	[smem:$0x3FB2] =	sst s10  }
0x38: {  	s10 =	sld [smem:$0x3FB3]  }
0x39: {  	_ = 	snop;
	(pc) =	sbr.ind lr, $3  }
0x3a: {  	_ = 	snop  }
0x3b: {  	_ = 	snop  }
0x3c: {  	p2 =	seq.s32 s10, $0x1;
	s10 =	sld [smem:$0x3FB2]  }
0x3d: {  	_ =	shalt  }
0x3e: {  	_ =	shalt  }
0x3f: {  	_ =	shalt  }
0x40: {  	_ =	shalt  }
0x41: {  	_ =	shalt  }
0x42: {  	_ =	shalt  }
0x43: {  	_ =	shalt  }
0x44: {  	_ =	shalt  }
0x45: {  	_ =	shalt  }
0x46: {  	_ =	shalt  }
0x47: {  	_ =	shalt  }
0x48: {  	_ =	shalt  }
0x49: {  	_ =	shalt  }
0x4a: {  	_ =	shalt  }
0x4b: {  	_ =	shalt  }
0x4c: {  	_ =	shalt  }
0x4d: {  	_ =	shalt  }
0x4e: {  	_ =	shalt  }
0x4f: {  	_ =	shalt  }
0x50: {  	_ =	shalt  }
0x51: {  	_ =	shalt  }
0x52: {  	_ =	shalt  }
0x53: {  	_ =	shalt  }
0x54: {  	_ =	shalt  }
0x55: {  	_ =	shalt  }
0x56: {  	_ =	shalt  }
0x57: {  	_ =	shalt  }
0x58: {  	_ =	shalt  }
0x59: {  	_ =	shalt  }
0x5a: {  	_ =	shalt  }
0x5b: {  	_ =	shalt  }
0x5c: {  	_ =	shalt  }
0x5d: {  	_ =	shalt  }
0x5e: {  	_ =	shalt  }
0x5f: {  	_ =	shalt  }
0x60: {  	_ =	shalt  }
0x61: {  	_ =	shalt  }
0x62: {  	_ =	shalt  }
0x63: {  	_ =	shalt  }
0x64: {  	_ =	shalt  }
0x65: {  	_ =	shalt  }
0x66: {  	_ =	shalt  }
0x67: {  	_ =	shalt  }
0x68: {  	_ =	shalt  }
0x69: {  	_ =	shalt  }
0x6a: {  	_ =	shalt  }
0x6b: {  	_ =	shalt  }
0x6c: {  	_ =	shalt  }
0x6d: {  	_ =	shalt  }
0x6e: {  	_ =	shalt  }
0x6f: {  	_ =	shalt  }
0x70: {  	_ =	shalt  }
0x71: {  	_ =	shalt  }
0x72: {  	_ =	shalt  }
0x73: {  	_ =	shalt  }
0x74: {  	_ =	shalt  }
0x75: {  	_ =	shalt  }
0x76: {  	_ =	shalt  }
0x77: {  	_ =	shalt  }
0x78: {  	_ =	shalt  }
0x79: {  	_ =	shalt  }
0x7a: {  	_ =	shalt  }
0x7b: {  	_ =	shalt  }
0x7c: {  	_ =	shalt  }
0x7d: {  	_ =	shalt  }
0x7e: {  	_ =	shalt  }
0x7f: {  	_ =	shalt  }
0x80: {  	_ =	shalt  }
0x81: {  	_ =	shalt  }
0x82: {  	_ =	shalt  }
0x83: {  	_ =	shalt  }
0x84: {  	_ =	shalt  }
0x85: {  	_ =	shalt  }
0x86: {  	_ =	shalt  }
0x87: {  	_ =	shalt  }
.Lfunc_end0:
.L_simem_size_0:
called_computation.1_lowered:
.L_overlay_start_0:
0x88: {  	s2 =	sld [smem:$0x3FD9]  }
0x89: {  	s3 =	sld [smem:$0x3FFE];
	_ =	sdelay $0x1  }
0x8a: {  	s1 =	srdreg.scid  }
0x8b: {  	s0 =	sand.u32 $0x1, s1  }
0x8c: {  	s17 =	sshll.u32 s0, $0xA;
	s2 =	sadd.s32 s3, s2  }
0x8d: {  	s2 =	sadd.s32 s2, s17  }
0x8e: {  	[smem:$0x3FBE] =	sst s2  }
0x8f: {  	_ = 	snop  }
0x90: {  	s2 =	sld [smem:$0x3FD0];
	(tm) =	ssettm $0x1  }
0x91: {  	s18 =	sld [smem:$0x3FFB];
	_ =	sdelay $0x3  }
0x92: {  	_ =	strace s18  }
0x93: {  	s3 =	sld [smem:$0x3FFC];
	_ =	sdelay $0x3  }
0x94: {  	_ =	strace s3  }
0x95: {  	s3 =	sld [smem:$0x3FFD];
	_ =	sdelay $0x3  }
0x96: {  	_ =	strace s3  }
0x97: {  	_ =	strace $0x8FFFFFFF  }
0x98: {  	s19 =	sld [smem:$0x3FDB];
	_ =	sdelay $0x1  }
0x99: {  	s4 =	simm.s32 $_scs_section_size  }
0x9a: {  	s5 =	simm.s32 $_size__tile_overlayer_lowered;
	s6 =	simm.s32 $_tile_overlayer_lowered  }
0x9b: {  	s22 =	simm.s32 $0x1BFF;
	s21 =	sshll.u32 s6, $0x1;
	s3 =	sadd.s32 s4, s19  }
0x9c: {  	s7 =	simm.s32 $0x0;
	s20 =	sshll.u32 s5, $0x1;
	s5 =	sadd.s32 s21, s3  }
0x9d: {  	[timem:s7], [sflag:s22] =	dma.local [hbm:s5], s20  }
0x9e: {  	_ =	swait.ge [sflag:s22], s20  }
0x9f: {  	s4 =	ssub.s32 $0x0, s20;
	[sflag:s22] =	ssyncset.done $0x0  }
0xa0: {  	[sflag:s22] =	ssyncadd.s32 s4;
	_ =	sdelay $0x1  }
0xa1: {  	s23 =	simm.s32 $0x1B8B  }
0xa2: {  	_ =	swait.ge [sflag:s23], $0x1  }
0xa3: {  	[sflag:s23] =	ssyncset.done $0x0  }
0xa4: {  	s25 =	simm.s32 $0x1B8E;
	s24 =	sld [smem:$0x3FFE];
	[sflag:s23] =	ssyncadd.s32 $0xFFFFFFFF  }
0xa5: {  	s26 =	simm.s32 $execute0_lowered;
	[smem:$0x3FD2] =	sst s25  }
0xa6: {  	s5 =	sshll.u32 s26, $0x1;
	_ =	strace $0x80000049;
	[dreg:$0x1] =	wrdreg $0xFFFFFFFF  }
0xa7: {  	s28 =	simm.s32 $_size_execute0_lowered;
	s3 =	sadd.s32 s3, s5;
	[dreg:$0x0] =	wrdreg $0x0  }
0xa8: {  	s5 =	sshll.u32 s28, $0x1;
	[dreg:$0x2] =	wrdreg s3  }
0xa9: {  	[dreg:$0x3] =	wrdreg s5  }
0xaa: {  	[dreg:$0x4] =	wrdreg $0xC0  }
0xab: {  	_ =	task [dreg:s7], $0x5FFFF  }
0xac: {  	[dreg:$0x1] =	wrdreg $0xFFFFFFFF  }
0xad: {  	[dreg:$0x0] =	wrdreg $0x60  }
0xae: {  	[dreg:$0x2] =	wrdreg s2  }
0xaf: {  	[dreg:$0x3] =	wrdreg s24  }
0xb0: {  	[dreg:$0x4] =	wrdreg $0x90000  }
0xb1: {  	[dreg:$0x5] =	wrdreg $0x9  }
0xb2: {  	_ =	task.clear_ibuf [dreg:s7], $0x6FFFF;
	_ =	strace $0x90000049  }
0xb3: {  	s29 =	simm.s32 $0x9;
	_ =	strace $0x8000004B  }
0xb4: {  	_ =	swait.ge [sflag:s29], $0x1  }
0xb5: {  	[sflag:s29] =	ssyncadd.s32 $0xFFFFFFFF  }
0xb6: {  	_ =	strace $0x9000004B  }
0xb7: {  	_ =	sfence  }
0xb8: {  	s30 =	sld [smem:$0x0];
	_ =	sdelay $0x2  }
0xb9: {  	s31 =	sshll.u32 s1, $0xD;
	s1 =	sshrl.u32 s1, $0x2  }
0xba: {  	s3 =	sand.u32 $0x4000, s31;
	s1 =	sadd.s32 s1, s30  }
0xbb: {  	s0 =	sor.u32 s3, s0;
	s1 =	sshll.u32 s1, $0x11  }
0xbc: {  	s0 =	sor.u32 s1, s0  }
0xbd: {  	s0 =	sadd.s32 $0x8F2B, s0  }
0xbe: {  	[sflag:s0] =	ssyncadd.remote.s32 $0x1  }
0xbf: {  	_ =	sfence.sel $0xFFFF  }
0xc0: {  	[dreg:$0x0] =	wrdreg $0xFFFFFFFF;
	(pc) =	sbr.abs _section_cstart, $3  }
0xc1: {  	[dreg:$0x1] =	wrdreg $0xFFFFFFFF  }
0xc2: {  	_ =	task.clear_ibuf [dreg:s7], $0x2FFFF;
	_ =	strace $0x9FFFFFFF  }
0xc3: {  	(tm) =	ssettm $0x7FFFFFFF  }
tec
execute0_lowered:
.L_overlay_start_1:
0x0: {  	(tag) =	ssettag $0x1  }
0x1: {  	s0 =	rddreg [dreg:$0x0];
	s2 =	stileid.u32  }
0x2: {  	s5 =	rddreg [dreg:$0x1];
	s8 =	smul.u32 $0x2800, s2  }
0x3: {  	s1 =	srdreg.scid;
	s9 =	smul.u32 $0x50000, s2  }
0x4: {  	s3 =	rddreg [dreg:$0x2];
	s6 =	sand.u32 $0x1, s1;
	s15 =	smul.u32 $0x14000, s2  }
0x5: {  	s4 =	simm.s32 $0x0;
	s1 =	rddreg [dreg:$0x3];
	s7 =	smul.u32 $0x28000, s6  }
0x6: {  	[smem:$0x7FF] =	sst s4;
	s16 =	smul.u32 $0x140000, s6;
	s6 =	ssub.s32 $0x2, s6  }
0x7: {  	s17 =	sadd.s32 $0x69400, s5;
	_ =	strace $0x8000004A;
	s24 =	sshrl.u32 s6, $0x1  }
0x8: {  	s25 =	sshrl.u32 s9, $0x2;
	s18 =	sadd.s32 $0x4000, s15;
	s19 =	sadd.s32 $0x8000, s15  }
0x9: {  	s20 =	sadd.s32 $0xC000, s15;
	s23 =	sadd.s32 $0x10000, s15;
	s7 =	sadd.s32 s8, s7  }
0xa: {  	s10 =	ssub.s32 s6, s24;
	s26 =	sadd.s32 s16, s15;
	s13 =	sadd.s32 s16, s18  }
0xb: {  	s22 =	sadd.s32 s18, s3;
	s28 =	sadd.s32 s16, s19;
	s21 =	sadd.s32 s16, s20  }
0xc: {  	s30 =	sadd.s32 s16, s23;
	s24 =	sadd.s32 s19, s3;
	s19 =	simm.s32 $0x2  }
0xd: {  	s7 =	sshrl.u32 s7, $0x3;
	s8 =	sshrl.u32 s26, $0x3;
	s9 =	smax.u32 s10, $0x1  }
0xe: {  	s14 =	sshrl.u32 s13, $0x3;
	s18 =	sshrl.u32 s28, $0x3;
	s29 =	sshrl.u32 s21, $0x3  }
0xf: {  	s31 =	sshrl.u32 s30, $0x3;
	s26 =	sadd.s32 s23, s3;
	s21 =	simm.s32 $0x80  }
0x10: {  	s22 =	sshrl.u32 s22, $0x3;
	s23 =	sshrl.u32 s24, $0x3;
	s7 =	sadd.s32 s7, s5  }
0x11: {  	s5 =	sadd.s32 s25, s3;
	s8 =	sadd.s32 s17, s8;
	s14 =	sadd.s32 s17, s14  }
0x12: {  	s15 =	sadd.s32 s17, s18;
	s16 =	sadd.s32 s17, s29;
	s25 =	sadd.s32 s20, s3  }
0x13: {  	s17 =	sadd.s32 s17, s31;
	s18 =	simm.s32 $0x5000;
	s20 =	simm.s32 $0x2800  }
0x14: {  	s6 =	sadd.s32 $0x5F400, s7;
	s7 =	sadd.s32 $0x5400, s7;
	s10 =	sadd.s32 $0x4000, s5  }
0x15: {  	s11 =	sadd.s32 $0x8000, s5;
	s12 =	sadd.s32 $0xC000, s5;
	s13 =	sadd.s32 $0x10000, s5  }
0x16: {  	v0 =	vimm.f32 $0.0e+00;
	s24 =	sshrl.u32 s25, $0x3;
	s25 =	sshrl.u32 s26, $0x3;
	s26 =	simm.s32 $0x1  }
.LBB2_1:
0x17: {  	s28 =	simm.s32 $0x0;
	s29 =	simm.s32 $0x200  }
.LBB2_2:
0x18: {  	p0 =	sne.s32 s29, $0xFE00;
	[tilespmem:s28+$0x5070] =	vst v0  }
0x19: {  	[tilespmem:s28+$0x5000] =	vst v0  }
0x1a: {  	[tilespmem:s28+$0x5010] =	vst v0  }
.Ltmp0:
0x1b: {  	[tilespmem:s28+$0x5020] =	vst v0;
	(pc) =	sbr.rel @p0 .LBB2_2-.Ltmp0, $4  }
0x1c: {  	[tilespmem:s28+$0x5030] =	vst v0  }
0x1d: {  	[tilespmem:s28+$0x5040] =	vst v0  }
0x1e: {  	[tilespmem:s28+$0x5050] =	vst v0  }
0x1f: {  	[tilespmem:s28+$0x5060] =	vst v0;
	s28 =	sshra.s32 s29, $0x2;
	s29 =	sadd.s32 $0x200, s29  }
0x20: {  	[tilespmem:s28+$0x5070] =	vst v0  }
0x21: {  	[tilespmem:s28+$0x5000] =	vst v0  }
0x22: {  	[tilespmem:s28+$0x5010] =	vst v0  }
0x23: {  	[tilespmem:s28+$0x5020] =	vst v0  }
0x24: {  	[tilespmem:s28+$0x5030] =	vst v0  }
0x25: {  	[tilespmem:s28+$0x5040] =	vst v0  }
0x26: {  	[tilespmem:s28+$0x5050] =	vst v0  }
0x27: {  	[tilespmem:s28+$0x5060] =	vst v0  }
0x28: {  	[spmem:s5] =	stream.linear.scatter [tilespmem:s18], [sflag:$0x2], $0x4000, $0x38;
	[tilespmem:$0x1D000] =	vst v63  }
0x29: {  	_ =	swait.ge [sflag:s19], $0x4000  }
0x2a: {  	[sflag:s19] =	ssyncset.done $0x0  }
0x2b: {  	[sflag:s19] =	ssyncadd.s32 $0xFFFFC000  }
0x2c: {  	[spmem:s10] =	stream.linear.scatter [tilespmem:s18], [sflag:$0x2], $0x4000, $0x38;
	[tilespmem:$0x1D000] =	vst v63  }
0x2d: {  	_ =	swait.ge [sflag:s19], $0x4000  }
0x2e: {  	[sflag:s19] =	ssyncset.done $0x0  }
0x2f: {  	[sflag:s19] =	ssyncadd.s32 $0xFFFFC000  }
0x30: {  	[spmem:s11] =	stream.linear.scatter [tilespmem:s18], [sflag:$0x2], $0x4000, $0x38;
	[tilespmem:$0x1D000] =	vst v63  }
0x31: {  	_ =	swait.ge [sflag:s19], $0x4000  }
0x32: {  	[sflag:s19] =	ssyncset.done $0x0  }
0x33: {  	[sflag:s19] =	ssyncadd.s32 $0xFFFFC000  }
0x34: {  	[spmem:s12] =	stream.linear.scatter [tilespmem:s18], [sflag:$0x2], $0x4000, $0x38;
	[tilespmem:$0x1D000] =	vst v63  }
0x35: {  	_ =	swait.ge [sflag:s19], $0x4000  }
0x36: {  	[sflag:s19] =	ssyncset.done $0x0  }
0x37: {  	[sflag:s19] =	ssyncadd.s32 $0xFFFFC000  }
0x38: {  	[spmem:s13] =	stream.linear.scatter [tilespmem:s18], [sflag:$0x2], $0x4000, $0x38;
	[tilespmem:$0x1D000] =	vst v63  }
0x39: {  	_ =	swait.ge [sflag:s19], $0x4000  }
0x3a: {  	[sflag:s19] =	ssyncset.done $0x0  }
0x3b: {  	s28 =	simm.s32 $0x0;
	[sflag:s19] =	ssyncadd.s32 $0xFFFFC000  }
0x3c: {  	[tilespmem:s28], [sflag:$0x2] =	stream.linear.gather [hbm4b:s6+s28], $0x2780, $0x38;
	[tilespmem:$0x1D000] =	vst v63  }
0x3d: {  	_ =	swait.ge [sflag:s19], $0x2780  }
0x3e: {  	[sflag:s19] =	ssyncset.done $0x0  }
0x3f: {  	[sflag:s19] =	ssyncadd.s32 $0xFFFFD880  }
0x40: {  	[tilespmem:s20], [sflag:$0x2] =	stream.linear.gather [hbm4b:s7+s28], $0x2780, $0x38;
	[tilespmem:$0x1D000] =	vst v63  }
0x41: {  	_ =	swait.ge [sflag:s19], $0x2780  }
0x42: {  	[sflag:s19] =	ssyncset.done $0x0  }
0x43: {  	[sflag:s19] =	ssyncadd.s32 $0xFFFFD880  }
0x44: {  	s28 =	simm.s32 $0x0;
	[bflag:$0x0] =	sbarrier.arrive $0xFFFF  }
0x45: {  	[tilespmem:s18], [sflag:$0x1] =	stream.indirect.gather [hbm4b:s0+s21], $0x80, s28, s21, $0xb8;
	[tilespmem:$0x1D000] =	vst v63  }
0x46: {  	_ =	swait.ge [sflag:s26], $0x4000  }
0x47: {  	[sflag:s26] =	ssyncset.done $0x0  }
0x48: {  	s28 =	simm.s32 $0x2800;
	[sflag:s26] =	ssyncadd.s32 $0xFFFFC000  }
0x49: {  	[spmem:s3] =	stream.indirect.scatter.add.f32 [tilespmem:s18], [sflag:$0x2], $0x80, s28, s21, $0xb8;
	[tilespmem:$0x1D000] =	vst v63  }
0x4a: {  	_ =	swait.ge [sflag:s19], $0x4000  }
0x4b: {  	s29 =	simm.s32 $0x400;
	s28 =	simm.s32 $0x200;
	[sflag:s19] =	ssyncset.done $0x0  }
.LBB2_4:
0x4c: {  	s30 =	sshra.s32 s28, $0x2  }
0x4d: {  	[sflag:s19] =	ssyncadd.s32 $0xFFFFC000;
	s28 =	smov.u32 s29;
	s31 =	sadd.s32 $0x200, s29  }
0x4e: {  	[tilespmem:s18], [sflag:$0x1] =	stream.indirect.gather [hbm4b:s0+s21], $0x80, s30, s21, $0xb8;
	[tilespmem:$0x1D000] =	vst v63  }
0x4f: {  	p0 =	sne.s32 s29, $0x9C00;
	_ =	swait.ge [sflag:s26], $0x4000  }
.Ltmp1:
0x50: {  	[sflag:s26] =	ssyncset.done $0x0;
	(pc) =	sbr.rel @p0 .LBB2_4-.Ltmp1, $4  }
0x51: {  	s29 =	sadd.s32 $0x2800, s30;
	[sflag:s26] =	ssyncadd.s32 $0xFFFFC000  }
0x52: {  	[spmem:s3] =	stream.indirect.scatter.add.f32 [tilespmem:s18], [sflag:$0x2], $0x80, s29, s21, $0xb8;
	[tilespmem:$0x1D000] =	vst v63  }
0x53: {  	_ =	swait.ge [sflag:s19], $0x4000  }
0x54: {  	s29 =	smov.u32 s31;
	[sflag:s19] =	ssyncset.done $0x0  }
0x55: {  	s28 =	sshra.s32 s28, $0x2;
	[sflag:s19] =	ssyncadd.s32 $0xFFFFC000  }
0x56: {  	[tilespmem:s18], [sflag:$0x1] =	stream.indirect.gather [hbm4b:s0+s21], $0x80, s28, s21, $0xb8;
	[tilespmem:$0x1D000] =	vst v63  }
0x57: {  	_ =	swait.ge [sflag:s26], $0x4000  }
0x58: {  	[sflag:s26] =	ssyncset.done $0x0  }
0x59: {  	s28 =	sadd.s32 $0x2800, s28;
	[sflag:s26] =	ssyncadd.s32 $0xFFFFC000  }
0x5a: {  	[spmem:s3] =	stream.indirect.scatter.add.f32 [tilespmem:s18], [sflag:$0x2], $0x80, s28, s21, $0xb8;
	[tilespmem:$0x1D000] =	vst v63  }
0x5b: {  	_ =	swait.ge [sflag:s19], $0x4000  }
0x5c: {  	[sflag:s19] =	ssyncset.done $0x0  }
0x5d: {  	s31 =	sshll.u32 s2, $0x6;
	[sflag:s19] =	ssyncadd.s32 $0xFFFFC000  }
0x5e: {  	s29 =	sshrl.u32 s5, $0x3;
	s28 =	sor.u32 $0x1C02, s31;
	[bflag:$0x0] =	sbarrier.arrive $0xFFFF  }
0x5f: {  	[hbm:s8], [sflag:s28] =	dma.local [spmem:s29], $0x800  }
0x60: {  	_ =	swait.ge [sflag:s19], $0x800  }
0x61: {  	[sflag:s19] =	ssyncset.done $0x0  }
0x62: {  	[sflag:s19] =	ssyncadd.s32 $0xFFFFF800  }
0x63: {  	[hbm:s14], [sflag:s28] =	dma.local [spmem:s22], $0x800  }
0x64: {  	_ =	swait.ge [sflag:s19], $0x800  }
0x65: {  	[sflag:s19] =	ssyncset.done $0x0  }
0x66: {  	[sflag:s19] =	ssyncadd.s32 $0xFFFFF800  }
0x67: {  	[hbm:s15], [sflag:s28] =	dma.local [spmem:s23], $0x800  }
0x68: {  	_ =	swait.ge [sflag:s19], $0x800  }
0x69: {  	[sflag:s19] =	ssyncset.done $0x0  }
0x6a: {  	[sflag:s19] =	ssyncadd.s32 $0xFFFFF800  }
0x6b: {  	[hbm:s16], [sflag:s28] =	dma.local [spmem:s24], $0x800  }
0x6c: {  	s4 =	sadd.s32 $0x1, s4;
	_ =	swait.ge [sflag:s19], $0x800  }
0x6d: {  	p0 =	sne.s32 s4, s9;
	[sflag:s19] =	ssyncset.done $0x0  }
.Ltmp2:
0x6e: {  	[sflag:s19] =	ssyncadd.s32 $0xFFFFF800;
	(pc) =	sbr.rel @p0 .LBB2_1-.Ltmp2, $4  }
0x6f: {  	[hbm:s17], [sflag:s28] =	dma.local [spmem:s25], $0x800  }
0x70: {  	_ =	swait.ge [sflag:s19], $0x800  }
0x71: {  	[sflag:s19] =	ssyncset.done $0x0  }
0x72: {  	[sflag:s19] =	ssyncadd.s32 $0xFFFFF800  }
0x73: {  	_ =	sfence.sel $0x180000  }
0x74: {  	[bflag:$0x0] =	sbarrier.arrive $0xFFFF  }
0x75: {  	p0 =	sne.s32 s2, $0x0;
	_ =	strace $0x9000004A  }
0x76: {  	s0 =	sadd.s32 @!p0 $0x100000, s1;
	[bflag:$0x2] =	sbarrier.arrive $0xFFFF  }
0x77: {  	[sflag:s0] =	ssyncadd.tile.s32 @!p0 $0x1;
	_ =	shalt  }
.Lfunc_end2:
_tile_overlayer_lowered:
.L_overlay_start_2:
0x78: {  	(tag) =	ssettag $0x2  }
0x79: {  	s0 =	rddreg [dreg:$0x0];
	s2 =	stileid.u32  }
0x7a: {  	s1 =	rddreg [dreg:$0x1];
	p0 =	sne.s32 s2, $0x0  }
0x7b: {  	s3 =	rddreg [dreg:$0x2];
	[bflag:$0x3] =	sbarrier.arrive $0xFFFF;
	s2 =	simm.s32 @!p0 $0x1C02  }
0x7c: {  	[timem:s3], [sflag:s2] =	dma.local @!p0 [hbm:s0], s1  }
0x7d: {  	s0 =	simm.s32 @!p0 $0x2  }
0x7e: {  	_ =	swait.ge @!p0 [sflag:s0], s1  }
0x7f: {  	s1 =	ssub.s32 @!p0 $0x0, s1;
	[sflag:s0] =	ssyncset.done @!p0 $0x0  }
0x80: {  	[sflag:s0] =	ssyncadd.s32 @!p0 s1  }
0x81: {  	[bflag:$0x3] =	sbarrier.arrive $0xFFFF  }
0x82: {  	_ =	shalt  }

// kernel: kernel.16.cloned.1.call-start
scs
__scs_entry_jumppad:
0x0: {  	(pc) =	sbr.rel $0x88, $3  }
0x1: {  	(tag) =	ssettag $0x0;
	lr =	simm.s32 $0x1  }
0x2: {  	[smem:$0x3F97] =	sst lr;
	_ =	strace $0xD0000000  }
0x3: {  	_ = 	snop  }
0x4: {  	_ = 	snop  }
0x5: {  	_ = 	snop  }
0x6: {  	_ = 	snop  }
0x7: {  	_ = 	snop  }
__scs_overlays_trampoline_lowered:
0x8: {  	[smem:$0x3FA6] =	sst s0  }
0x9: {  	[smem:$0x3FA7] =	sst s1  }
0xa: {  	[smem:$0x3FA8] =	sst s2  }
0xb: {  	[smem:$0x3FA9] =	sst s3  }
0xc: {  	[smem:$0x3FAA] =	sst s4  }
0xd: {  	[smem:$0x3FAB] =	sst s5  }
0xe: {  	[smem:$0x3FAC] =	sst s6  }
0xf: {  	[smem:$0x3FAD] =	sst s7  }
0x10: {  	[smem:$0x3FAE] =	sst s8  }
0x11: {  	[smem:$0x3FAF] =	sst s9;
	s0 =	simm.s32 @!p0 $0x0  }
0x12: {  	s1 =	sld [smem:$0x3F95];
	s0 =	simm.s32 @p0 $0x1  }
0x13: {  	[smem:$0x3FB0] =	sst s0;
	s0 =	simm.s32 @!p1 $0x0  }
0x14: {  	s2 =	sld [smem:$0x3F94];
	s0 =	simm.s32 @p1 $0x1  }
0x15: {  	[smem:$0x3FB1] =	sst s0;
	s0 =	simm.s32 @!p2 $0x0  }
0x16: {  	s3 =	sld [smem:$0x3FDB];
	s0 =	simm.s32 @p2 $0x1  }
0x17: {  	s4 =	simm.s32 $0x1BF5;
	[smem:$0x3FB3] =	sst s0  }
0x18: {  	s0 =	sld [smem:$0x3F96];
	_ =	swait.ge [sflag:s4], $0x0  }
0x19: {  	s7 =	sld [smem:$0x3F97]  }
0x1a: {  	s8 =	sadd.s32 $0xFFFFE003, lr  }
0x1b: {  	s9 =	sadd.s32 $0xFFFFFEF7, lr;
	s5 =	simm.s32 $0xFFFFFFFF;
	p2 =	slt.u32 s8, $0xFFFFF086  }
0x1c: {  	p1 =	slt.u32 s9, $0xF7A;
	s5 =	simm.s32 @!p2 $0x0  }
0x1d: {  	s5 =	simm.s32 @p1 $0x1;
	p0 =	seq.s32 s7, s2  }
0x1e: {  	s7 =	smul.u32 @!p0 $0xF7A, s2;
	p2 =	seq.s32 @!p0 s5, $0x0  }
0x1f: {  	s9 =	smul.u32 $0xF7A, s1;
	s8 =	simm.s32 @!p0 $0x1BF5;
	p2 =	por !p2, p0  }
0x20: {  	[sflag:s8] =	ssyncset.s32 @!p0 $0xFFFFF086;
	s6 =	sadd.s32 @!p0 s3, s7;
	s7 =	simm.s32 @!p0 $0x108  }
0x21: {  	s3 =	sadd.s32 s3, s9;
	s6 =	sadd.s32 @!p0 $0x88, s6;
	s7 =	simm.s32 @p2 $0x1082  }
0x22: {  	[simem:s7], [sflag:s8] =	dma.local @!p0 [hbm:s6], $0xF7A  }
0x23: {  	s9 =	sor.u32 $0xD0000000, s2;
	s6 =	simm.s32 $0x108;
	_ =	swait.ge @!p0 [sflag:s8], $0x0  }
0x24: {  	s3 =	sadd.s32 $0x88, s3;
	s6 =	simm.s32 @!p1 $0x1082;
	[sflag:s4] =	ssyncset.s32 $0xFFFFF086  }
0x25: {  	[simem:s6], [sflag:s4] =	dma.local [hbm:s3], $0xF7A  }
0x26: {  	[smem:$0x3F97] =	sst s1;
	(tag) =	ssettag s2;
	_ =	strace s9  }
0x27: {  	s1 =	sld [smem:$0x3FA7]  }
0x28: {  	s2 =	sld [smem:$0x3FA8]  }
0x29: {  	s4 =	sld [smem:$0x3FAA]  }
0x2a: {  	p0 =	seq.s32 s5, $0x0;
	s5 =	sld [smem:$0x3FAB]  }
0x2b: {  	s6 =	sld [smem:$0x3FAC]  }
0x2c: {  	s7 =	sld [smem:$0x3FAD]  }
0x2d: {  	s3 =	simm.s32 $0x108;
	s8 =	sld [smem:$0x3FAE]  }
0x2e: {  	s3 =	simm.s32 @!p0 $0x1082;
	s9 =	sld [smem:$0x3FAF]  }
0x2f: {  	lr =	sadd.s32 s0, s3;
	s0 =	sld [smem:$0x3FA6]  }
0x30: {  	s3 =	sld [smem:$0x3FA9]  }
0x31: {  	[smem:$0x3FB2] =	sst s10  }
0x32: {  	s10 =	sld [smem:$0x3FB0];
	_ =	sdelay $0x3  }
0x33: {  	p0 =	seq.s32 s10, $0x1;
	s10 =	sld [smem:$0x3FB2];
	_ =	sdelay $0x3  }
0x34: {  	[smem:$0x3FB2] =	sst s10  }
0x35: {  	s10 =	sld [smem:$0x3FB1];
	_ =	sdelay $0x3  }
0x36: {  	p1 =	seq.s32 s10, $0x1;
	s10 =	sld [smem:$0x3FB2];
	_ =	sdelay $0x3  }
0x37: {  	[smem:$0x3FB2] =	sst s10  }
0x38: {  	s10 =	sld [smem:$0x3FB3]  }
0x39: {  	_ = 	snop;
	(pc) =	sbr.ind lr, $3  }
0x3a: {  	_ = 	snop  }
0x3b: {  	_ = 	snop  }
0x3c: {  	p2 =	seq.s32 s10, $0x1;
	s10 =	sld [smem:$0x3FB2]  }
0x3d: {  	_ =	shalt  }
0x3e: {  	_ =	shalt  }
0x3f: {  	_ =	shalt  }
0x40: {  	_ =	shalt  }
0x41: {  	_ =	shalt  }
0x42: {  	_ =	shalt  }
0x43: {  	_ =	shalt  }
0x44: {  	_ =	shalt  }
0x45: {  	_ =	shalt  }
0x46: {  	_ =	shalt  }
0x47: {  	_ =	shalt  }
0x48: {  	_ =	shalt  }
0x49: {  	_ =	shalt  }
0x4a: {  	_ =	shalt  }
0x4b: {  	_ =	shalt  }
0x4c: {  	_ =	shalt  }
0x4d: {  	_ =	shalt  }
0x4e: {  	_ =	shalt  }
0x4f: {  	_ =	shalt  }
0x50: {  	_ =	shalt  }
0x51: {  	_ =	shalt  }
0x52: {  	_ =	shalt  }
0x53: {  	_ =	shalt  }
0x54: {  	_ =	shalt  }
0x55: {  	_ =	shalt  }
0x56: {  	_ =	shalt  }
0x57: {  	_ =	shalt  }
0x58: {  	_ =	shalt  }
0x59: {  	_ =	shalt  }
0x5a: {  	_ =	shalt  }
0x5b: {  	_ =	shalt  }
0x5c: {  	_ =	shalt  }
0x5d: {  	_ =	shalt  }
0x5e: {  	_ =	shalt  }
0x5f: {  	_ =	shalt  }
0x60: {  	_ =	shalt  }
0x61: {  	_ =	shalt  }
0x62: {  	_ =	shalt  }
0x63: {  	_ =	shalt  }
0x64: {  	_ =	shalt  }
0x65: {  	_ =	shalt  }
0x66: {  	_ =	shalt  }
0x67: {  	_ =	shalt  }
0x68: {  	_ =	shalt  }
0x69: {  	_ =	shalt  }
0x6a: {  	_ =	shalt  }
0x6b: {  	_ =	shalt  }
0x6c: {  	_ =	shalt  }
0x6d: {  	_ =	shalt  }
0x6e: {  	_ =	shalt  }
0x6f: {  	_ =	shalt  }
0x70: {  	_ =	shalt  }
0x71: {  	_ =	shalt  }
0x72: {  	_ =	shalt  }
0x73: {  	_ =	shalt  }
0x74: {  	_ =	shalt  }
0x75: {  	_ =	shalt  }
0x76: {  	_ =	shalt  }
0x77: {  	_ =	shalt  }
0x78: {  	_ =	shalt  }
0x79: {  	_ =	shalt  }
0x7a: {  	_ =	shalt  }
0x7b: {  	_ =	shalt  }
0x7c: {  	_ =	shalt  }
0x7d: {  	_ =	shalt  }
0x7e: {  	_ =	shalt  }
0x7f: {  	_ =	shalt  }
0x80: {  	_ =	shalt  }
0x81: {  	_ =	shalt  }
0x82: {  	_ =	shalt  }
0x83: {  	_ =	shalt  }
0x84: {  	_ =	shalt  }
0x85: {  	_ =	shalt  }
0x86: {  	_ =	shalt  }
0x87: {  	_ =	shalt  }
.Lfunc_end0:
.L_simem_size_0:
called_computation.2_lowered:
.L_overlay_start_0:
0x88: {  	s2 =	sld [smem:$0x3FD9]  }
0x89: {  	s3 =	sld [smem:$0x3FFE];
	_ =	sdelay $0x1  }
0x8a: {  	s1 =	srdreg.scid  }
0x8b: {  	s0 =	sand.u32 $0x1, s1  }
0x8c: {  	s17 =	sshll.u32 s0, $0xA;
	s2 =	sadd.s32 s3, s2  }
0x8d: {  	s2 =	sadd.s32 s2, s17  }
0x8e: {  	[smem:$0x3FBE] =	sst s2  }
0x8f: {  	_ = 	snop  }
0x90: {  	s2 =	sld [smem:$0x3FD0];
	(tm) =	ssettm $0x1  }
0x91: {  	s18 =	sld [smem:$0x3FFB];
	_ =	sdelay $0x3  }
0x92: {  	_ =	strace s18  }
0x93: {  	s3 =	sld [smem:$0x3FFC];
	_ =	sdelay $0x3  }
0x94: {  	_ =	strace s3  }
0x95: {  	s3 =	sld [smem:$0x3FFD];
	_ =	sdelay $0x3  }
0x96: {  	_ =	strace s3  }
0x97: {  	_ =	strace $0x8FFFFFFF  }
0x98: {  	s19 =	sld [smem:$0x3FDB];
	_ =	sdelay $0x1  }
0x99: {  	s4 =	simm.s32 $_scs_section_size  }
0x9a: {  	s5 =	simm.s32 $_size__tile_overlayer_lowered;
	s6 =	simm.s32 $_tile_overlayer_lowered  }
0x9b: {  	s22 =	simm.s32 $0x1BFF;
	s21 =	sshll.u32 s6, $0x1;
	s3 =	sadd.s32 s4, s19  }
0x9c: {  	s7 =	simm.s32 $0x0;
	s20 =	sshll.u32 s5, $0x1;
	s5 =	sadd.s32 s21, s3  }
0x9d: {  	[timem:s7], [sflag:s22] =	dma.local [hbm:s5], s20  }
0x9e: {  	_ =	swait.ge [sflag:s22], s20  }
0x9f: {  	s4 =	ssub.s32 $0x0, s20;
	[sflag:s22] =	ssyncset.done $0x0  }
0xa0: {  	[sflag:s22] =	ssyncadd.s32 s4;
	_ =	sdelay $0x1  }
0xa1: {  	s23 =	simm.s32 $0x1B8B  }
0xa2: {  	_ =	swait.ge [sflag:s23], $0x1  }
0xa3: {  	[sflag:s23] =	ssyncset.done $0x0  }
0xa4: {  	s25 =	simm.s32 $0x1B8E;
	s24 =	sld [smem:$0x3FFE];
	[sflag:s23] =	ssyncadd.s32 $0xFFFFFFFF  }
0xa5: {  	s26 =	simm.s32 $execute0_lowered;
	[smem:$0x3FD2] =	sst s25  }
0xa6: {  	s5 =	sshll.u32 s26, $0x1;
	_ =	strace $0x8000004C;
	[dreg:$0x1] =	wrdreg $0xFFFFFFFF  }
0xa7: {  	s28 =	simm.s32 $_size_execute0_lowered;
	s3 =	sadd.s32 s3, s5;
	[dreg:$0x0] =	wrdreg $0x0  }
0xa8: {  	s5 =	sshll.u32 s28, $0x1;
	[dreg:$0x2] =	wrdreg s3  }
0xa9: {  	[dreg:$0x3] =	wrdreg s5  }
0xaa: {  	[dreg:$0x4] =	wrdreg $0xC0  }
0xab: {  	_ =	task [dreg:s7], $0x5FFFF  }
0xac: {  	[dreg:$0x1] =	wrdreg $0xFFFFFFFF  }
0xad: {  	[dreg:$0x0] =	wrdreg $0x60  }
0xae: {  	[dreg:$0x2] =	wrdreg s2  }
0xaf: {  	[dreg:$0x3] =	wrdreg s24  }
0xb0: {  	[dreg:$0x4] =	wrdreg $0x90000  }
0xb1: {  	[dreg:$0x5] =	wrdreg $0x9  }
0xb2: {  	_ =	task.clear_ibuf [dreg:s7], $0x6FFFF;
	_ =	strace $0x9000004C  }
0xb3: {  	s29 =	simm.s32 $0x9;
	_ =	strace $0x8000004E  }
0xb4: {  	_ =	swait.ge [sflag:s29], $0x1  }
0xb5: {  	[sflag:s29] =	ssyncadd.s32 $0xFFFFFFFF  }
0xb6: {  	_ =	strace $0x9000004E  }
0xb7: {  	_ =	sfence  }
0xb8: {  	s30 =	sld [smem:$0x0];
	_ =	sdelay $0x2  }
0xb9: {  	s31 =	sshll.u32 s1, $0xD;
	s1 =	sshrl.u32 s1, $0x2  }
0xba: {  	s3 =	sand.u32 $0x4000, s31;
	s1 =	sadd.s32 s1, s30  }
0xbb: {  	s0 =	sor.u32 s3, s0;
	s1 =	sshll.u32 s1, $0x11  }
0xbc: {  	s0 =	sor.u32 s1, s0  }
0xbd: {  	s0 =	sadd.s32 $0x8F2B, s0  }
0xbe: {  	[sflag:s0] =	ssyncadd.remote.s32 $0x1  }
0xbf: {  	_ =	sfence.sel $0xFFFF  }
0xc0: {  	[dreg:$0x0] =	wrdreg $0xFFFFFFFF;
	(pc) =	sbr.abs _section_cstart, $3  }
0xc1: {  	[dreg:$0x1] =	wrdreg $0xFFFFFFFF  }
0xc2: {  	_ =	task.clear_ibuf [dreg:s7], $0x2FFFF;
	_ =	strace $0x9FFFFFFF  }
0xc3: {  	(tm) =	ssettm $0x7FFFFFFF  }
tec
execute0_lowered:
.L_overlay_start_1:
0x0: {  	(tag) =	ssettag $0x1  }
0x1: {  	s0 =	rddreg [dreg:$0x0];
	s2 =	stileid.u32  }
0x2: {  	s5 =	rddreg [dreg:$0x1];
	s8 =	smul.u32 $0x2800, s2  }
0x3: {  	s1 =	srdreg.scid;
	s9 =	smul.u32 $0x50000, s2  }
0x4: {  	s3 =	rddreg [dreg:$0x2];
	s6 =	sand.u32 $0x1, s1;
	s15 =	smul.u32 $0x14000, s2  }
0x5: {  	s4 =	simm.s32 $0x0;
	s1 =	rddreg [dreg:$0x3];
	s7 =	smul.u32 $0x28000, s6  }
0x6: {  	[smem:$0x7FF] =	sst s4;
	s16 =	smul.u32 $0x140000, s6;
	s6 =	ssub.s32 $0x2, s6  }
0x7: {  	s17 =	sadd.s32 $0x69400, s5;
	_ =	strace $0x8000004D;
	s24 =	sshrl.u32 s6, $0x1  }
0x8: {  	s25 =	sshrl.u32 s9, $0x2;
	s18 =	sadd.s32 $0x4000, s15;
	s19 =	sadd.s32 $0x8000, s15  }
0x9: {  	s20 =	sadd.s32 $0xC000, s15;
	s23 =	sadd.s32 $0x10000, s15;
	s7 =	sadd.s32 s8, s7  }
0xa: {  	s10 =	ssub.s32 s6, s24;
	s26 =	sadd.s32 s16, s15;
	s13 =	sadd.s32 s16, s18  }
0xb: {  	s22 =	sadd.s32 s18, s3;
	s28 =	sadd.s32 s16, s19;
	s21 =	sadd.s32 s16, s20  }
0xc: {  	s30 =	sadd.s32 s16, s23;
	s24 =	sadd.s32 s19, s3;
	s19 =	simm.s32 $0x2  }
0xd: {  	s7 =	sshrl.u32 s7, $0x3;
	s8 =	sshrl.u32 s26, $0x3;
	s9 =	smax.u32 s10, $0x1  }
0xe: {  	s14 =	sshrl.u32 s13, $0x3;
	s18 =	sshrl.u32 s28, $0x3;
	s29 =	sshrl.u32 s21, $0x3  }
0xf: {  	s31 =	sshrl.u32 s30, $0x3;
	s26 =	sadd.s32 s23, s3;
	s21 =	simm.s32 $0x80  }
0x10: {  	s22 =	sshrl.u32 s22, $0x3;
	s23 =	sshrl.u32 s24, $0x3;
	s7 =	sadd.s32 s7, s5  }
0x11: {  	s5 =	sadd.s32 s25, s3;
	s8 =	sadd.s32 s17, s8;
	s14 =	sadd.s32 s17, s14  }
0x12: {  	s15 =	sadd.s32 s17, s18;
	s16 =	sadd.s32 s17, s29;
	s25 =	sadd.s32 s20, s3  }
0x13: {  	s17 =	sadd.s32 s17, s31;
	s18 =	simm.s32 $0x5000;
	s20 =	simm.s32 $0x2800  }
0x14: {  	s6 =	sadd.s32 $0x5F400, s7;
	s7 =	sadd.s32 $0x5400, s7;
	s10 =	sadd.s32 $0x4000, s5  }
0x15: {  	s11 =	sadd.s32 $0x8000, s5;
	s12 =	sadd.s32 $0xC000, s5;
	s13 =	sadd.s32 $0x10000, s5  }
0x16: {  	v0 =	vimm.f32 $0.0e+00;
	s24 =	sshrl.u32 s25, $0x3;
	s25 =	sshrl.u32 s26, $0x3;
	s26 =	simm.s32 $0x1  }
.LBB2_1:
0x17: {  	s28 =	simm.s32 $0x0;
	s29 =	simm.s32 $0x200  }
.LBB2_2:
0x18: {  	p0 =	sne.s32 s29, $0xFE00;
	[tilespmem:s28+$0x5070] =	vst v0  }
0x19: {  	[tilespmem:s28+$0x5000] =	vst v0  }
0x1a: {  	[tilespmem:s28+$0x5010] =	vst v0  }
.Ltmp0:
0x1b: {  	[tilespmem:s28+$0x5020] =	vst v0;
	(pc) =	sbr.rel @p0 .LBB2_2-.Ltmp0, $4  }
0x1c: {  	[tilespmem:s28+$0x5030] =	vst v0  }
0x1d: {  	[tilespmem:s28+$0x5040] =	vst v0  }
0x1e: {  	[tilespmem:s28+$0x5050] =	vst v0  }
0x1f: {  	[tilespmem:s28+$0x5060] =	vst v0;
	s28 =	sshra.s32 s29, $0x2;
	s29 =	sadd.s32 $0x200, s29  }
0x20: {  	[tilespmem:s28+$0x5070] =	vst v0  }
0x21: {  	[tilespmem:s28+$0x5000] =	vst v0  }
0x22: {  	[tilespmem:s28+$0x5010] =	vst v0  }
0x23: {  	[tilespmem:s28+$0x5020] =	vst v0  }
0x24: {  	[tilespmem:s28+$0x5030] =	vst v0  }
0x25: {  	[tilespmem:s28+$0x5040] =	vst v0  }
0x26: {  	[tilespmem:s28+$0x5050] =	vst v0  }
0x27: {  	[tilespmem:s28+$0x5060] =	vst v0  }
0x28: {  	[spmem:s5] =	stream.linear.scatter [tilespmem:s18], [sflag:$0x2], $0x4000, $0x38;
	[tilespmem:$0x1D000] =	vst v63  }
0x29: {  	_ =	swait.ge [sflag:s19], $0x4000  }
0x2a: {  	[sflag:s19] =	ssyncset.done $0x0  }
0x2b: {  	[sflag:s19] =	ssyncadd.s32 $0xFFFFC000  }
0x2c: {  	[spmem:s10] =	stream.linear.scatter [tilespmem:s18], [sflag:$0x2], $0x4000, $0x38;
	[tilespmem:$0x1D000] =	vst v63  }
0x2d: {  	_ =	swait.ge [sflag:s19], $0x4000  }
0x2e: {  	[sflag:s19] =	ssyncset.done $0x0  }
0x2f: {  	[sflag:s19] =	ssyncadd.s32 $0xFFFFC000  }
0x30: {  	[spmem:s11] =	stream.linear.scatter [tilespmem:s18], [sflag:$0x2], $0x4000, $0x38;
	[tilespmem:$0x1D000] =	vst v63  }
0x31: {  	_ =	swait.ge [sflag:s19], $0x4000  }
0x32: {  	[sflag:s19] =	ssyncset.done $0x0  }
0x33: {  	[sflag:s19] =	ssyncadd.s32 $0xFFFFC000  }
0x34: {  	[spmem:s12] =	stream.linear.scatter [tilespmem:s18], [sflag:$0x2], $0x4000, $0x38;
	[tilespmem:$0x1D000] =	vst v63  }
0x35: {  	_ =	swait.ge [sflag:s19], $0x4000  }
0x36: {  	[sflag:s19] =	ssyncset.done $0x0  }
0x37: {  	[sflag:s19] =	ssyncadd.s32 $0xFFFFC000  }
0x38: {  	[spmem:s13] =	stream.linear.scatter [tilespmem:s18], [sflag:$0x2], $0x4000, $0x38;
	[tilespmem:$0x1D000] =	vst v63  }
0x39: {  	_ =	swait.ge [sflag:s19], $0x4000  }
0x3a: {  	[sflag:s19] =	ssyncset.done $0x0  }
0x3b: {  	s28 =	simm.s32 $0x0;
	[sflag:s19] =	ssyncadd.s32 $0xFFFFC000  }
0x3c: {  	[tilespmem:s28], [sflag:$0x2] =	stream.linear.gather [hbm4b:s6+s28], $0x2780, $0x38;
	[tilespmem:$0x1D000] =	vst v63  }
0x3d: {  	_ =	swait.ge [sflag:s19], $0x2780  }
0x3e: {  	[sflag:s19] =	ssyncset.done $0x0  }
0x3f: {  	[sflag:s19] =	ssyncadd.s32 $0xFFFFD880  }
0x40: {  	[tilespmem:s20], [sflag:$0x2] =	stream.linear.gather [hbm4b:s7+s28], $0x2780, $0x38;
	[tilespmem:$0x1D000] =	vst v63  }
0x41: {  	_ =	swait.ge [sflag:s19], $0x2780  }
0x42: {  	[sflag:s19] =	ssyncset.done $0x0  }
0x43: {  	[sflag:s19] =	ssyncadd.s32 $0xFFFFD880  }
0x44: {  	s28 =	simm.s32 $0x0;
	[bflag:$0x0] =	sbarrier.arrive $0xFFFF  }
0x45: {  	[tilespmem:s18], [sflag:$0x1] =	stream.indirect.gather [hbm4b:s0+s21], $0x80, s28, s21, $0xb8;
	[tilespmem:$0x1D000] =	vst v63  }
0x46: {  	_ =	swait.ge [sflag:s26], $0x4000  }
0x47: {  	[sflag:s26] =	ssyncset.done $0x0  }
0x48: {  	s28 =	simm.s32 $0x2800;
	[sflag:s26] =	ssyncadd.s32 $0xFFFFC000  }
0x49: {  	[spmem:s3] =	stream.indirect.scatter.add.f32 [tilespmem:s18], [sflag:$0x2], $0x80, s28, s21, $0xb8;
	[tilespmem:$0x1D000] =	vst v63  }
0x4a: {  	_ =	swait.ge [sflag:s19], $0x4000  }
0x4b: {  	s29 =	simm.s32 $0x400;
	s28 =	simm.s32 $0x200;
	[sflag:s19] =	ssyncset.done $0x0  }
.LBB2_4:
0x4c: {  	s30 =	sshra.s32 s28, $0x2  }
0x4d: {  	[sflag:s19] =	ssyncadd.s32 $0xFFFFC000;
	s28 =	smov.u32 s29;
	s31 =	sadd.s32 $0x200, s29  }
0x4e: {  	[tilespmem:s18], [sflag:$0x1] =	stream.indirect.gather [hbm4b:s0+s21], $0x80, s30, s21, $0xb8;
	[tilespmem:$0x1D000] =	vst v63  }
0x4f: {  	p0 =	sne.s32 s29, $0x9C00;
	_ =	swait.ge [sflag:s26], $0x4000  }
.Ltmp1:
0x50: {  	[sflag:s26] =	ssyncset.done $0x0;
	(pc) =	sbr.rel @p0 .LBB2_4-.Ltmp1, $4  }
0x51: {  	s29 =	sadd.s32 $0x2800, s30;
	[sflag:s26] =	ssyncadd.s32 $0xFFFFC000  }
0x52: {  	[spmem:s3] =	stream.indirect.scatter.add.f32 [tilespmem:s18], [sflag:$0x2], $0x80, s29, s21, $0xb8;
	[tilespmem:$0x1D000] =	vst v63  }
0x53: {  	_ =	swait.ge [sflag:s19], $0x4000  }
0x54: {  	s29 =	smov.u32 s31;
	[sflag:s19] =	ssyncset.done $0x0  }
0x55: {  	s28 =	sshra.s32 s28, $0x2;
	[sflag:s19] =	ssyncadd.s32 $0xFFFFC000  }
0x56: {  	[tilespmem:s18], [sflag:$0x1] =	stream.indirect.gather [hbm4b:s0+s21], $0x80, s28, s21, $0xb8;
	[tilespmem:$0x1D000] =	vst v63  }
0x57: {  	_ =	swait.ge [sflag:s26], $0x4000  }
0x58: {  	[sflag:s26] =	ssyncset.done $0x0  }
0x59: {  	s28 =	sadd.s32 $0x2800, s28;
	[sflag:s26] =	ssyncadd.s32 $0xFFFFC000  }
0x5a: {  	[spmem:s3] =	stream.indirect.scatter.add.f32 [tilespmem:s18], [sflag:$0x2], $0x80, s28, s21, $0xb8;
	[tilespmem:$0x1D000] =	vst v63  }
0x5b: {  	_ =	swait.ge [sflag:s19], $0x4000  }
0x5c: {  	[sflag:s19] =	ssyncset.done $0x0  }
0x5d: {  	s31 =	sshll.u32 s2, $0x6;
	[sflag:s19] =	ssyncadd.s32 $0xFFFFC000  }
0x5e: {  	s29 =	sshrl.u32 s5, $0x3;
	s28 =	sor.u32 $0x1C02, s31;
	[bflag:$0x0] =	sbarrier.arrive $0xFFFF  }
0x5f: {  	[hbm:s8], [sflag:s28] =	dma.local [spmem:s29], $0x800  }
0x60: {  	_ =	swait.ge [sflag:s19], $0x800  }
0x61: {  	[sflag:s19] =	ssyncset.done $0x0  }
0x62: {  	[sflag:s19] =	ssyncadd.s32 $0xFFFFF800  }
0x63: {  	[hbm:s14], [sflag:s28] =	dma.local [spmem:s22], $0x800  }
0x64: {  	_ =	swait.ge [sflag:s19], $0x800  }
0x65: {  	[sflag:s19] =	ssyncset.done $0x0  }
0x66: {  	[sflag:s19] =	ssyncadd.s32 $0xFFFFF800  }
0x67: {  	[hbm:s15], [sflag:s28] =	dma.local [spmem:s23], $0x800  }
0x68: {  	_ =	swait.ge [sflag:s19], $0x800  }
0x69: {  	[sflag:s19] =	ssyncset.done $0x0  }
0x6a: {  	[sflag:s19] =	ssyncadd.s32 $0xFFFFF800  }
0x6b: {  	[hbm:s16], [sflag:s28] =	dma.local [spmem:s24], $0x800  }
0x6c: {  	s4 =	sadd.s32 $0x1, s4;
	_ =	swait.ge [sflag:s19], $0x800  }
0x6d: {  	p0 =	sne.s32 s4, s9;
	[sflag:s19] =	ssyncset.done $0x0  }
.Ltmp2:
0x6e: {  	[sflag:s19] =	ssyncadd.s32 $0xFFFFF800;
	(pc) =	sbr.rel @p0 .LBB2_1-.Ltmp2, $4  }
0x6f: {  	[hbm:s17], [sflag:s28] =	dma.local [spmem:s25], $0x800  }
0x70: {  	_ =	swait.ge [sflag:s19], $0x800  }
0x71: {  	[sflag:s19] =	ssyncset.done $0x0  }
0x72: {  	[sflag:s19] =	ssyncadd.s32 $0xFFFFF800  }
0x73: {  	_ =	sfence.sel $0x180000  }
0x74: {  	[bflag:$0x0] =	sbarrier.arrive $0xFFFF  }
0x75: {  	p0 =	sne.s32 s2, $0x0;
	_ =	strace $0x9000004D  }
0x76: {  	s0 =	sadd.s32 @!p0 $0x100000, s1;
	[bflag:$0x2] =	sbarrier.arrive $0xFFFF  }
0x77: {  	[sflag:s0] =	ssyncadd.tile.s32 @!p0 $0x1;
	_ =	shalt  }
.Lfunc_end2:
_tile_overlayer_lowered:
.L_overlay_start_2:
0x78: {  	(tag) =	ssettag $0x2  }
0x79: {  	s0 =	rddreg [dreg:$0x0];
	s2 =	stileid.u32  }
0x7a: {  	s1 =	rddreg [dreg:$0x1];
	p0 =	sne.s32 s2, $0x0  }
0x7b: {  	s3 =	rddreg [dreg:$0x2];
	[bflag:$0x3] =	sbarrier.arrive $0xFFFF;
	s2 =	simm.s32 @!p0 $0x1C02  }
0x7c: {  	[timem:s3], [sflag:s2] =	dma.local @!p0 [hbm:s0], s1  }
0x7d: {  	s0 =	simm.s32 @!p0 $0x2  }
0x7e: {  	_ =	swait.ge @!p0 [sflag:s0], s1  }
0x7f: {  	s1 =	ssub.s32 @!p0 $0x0, s1;
	[sflag:s0] =	ssyncset.done @!p0 $0x0  }
0x80: {  	[sflag:s0] =	ssyncadd.s32 @!p0 s1  }
0x81: {  	[bflag:$0x3] =	sbarrier.arrive $0xFFFF  }
0x82: {  	_ =	shalt  }

// kernel: kernel.19.cloned.1.call-start
scs
__scs_entry_jumppad:
0x0: {  	(pc) =	sbr.rel $0x88, $3  }
0x1: {  	(tag) =	ssettag $0x0;
	lr =	simm.s32 $0x1  }
0x2: {  	[smem:$0x3F97] =	sst lr;
	_ =	strace $0xD0000000  }
0x3: {  	_ = 	snop  }
0x4: {  	_ = 	snop  }
0x5: {  	_ = 	snop  }
0x6: {  	_ = 	snop  }
0x7: {  	_ = 	snop  }
__scs_overlays_trampoline_lowered:
0x8: {  	[smem:$0x3FA6] =	sst s0  }
0x9: {  	[smem:$0x3FA7] =	sst s1  }
0xa: {  	[smem:$0x3FA8] =	sst s2  }
0xb: {  	[smem:$0x3FA9] =	sst s3  }
0xc: {  	[smem:$0x3FAA] =	sst s4  }
0xd: {  	[smem:$0x3FAB] =	sst s5  }
0xe: {  	[smem:$0x3FAC] =	sst s6  }
0xf: {  	[smem:$0x3FAD] =	sst s7  }
0x10: {  	[smem:$0x3FAE] =	sst s8  }
0x11: {  	[smem:$0x3FAF] =	sst s9;
	s0 =	simm.s32 @!p0 $0x0  }
0x12: {  	s1 =	sld [smem:$0x3F95];
	s0 =	simm.s32 @p0 $0x1  }
0x13: {  	[smem:$0x3FB0] =	sst s0;
	s0 =	simm.s32 @!p1 $0x0  }
0x14: {  	s2 =	sld [smem:$0x3F94];
	s0 =	simm.s32 @p1 $0x1  }
0x15: {  	[smem:$0x3FB1] =	sst s0;
	s0 =	simm.s32 @!p2 $0x0  }
0x16: {  	s3 =	sld [smem:$0x3FDB];
	s0 =	simm.s32 @p2 $0x1  }
0x17: {  	s4 =	simm.s32 $0x1BF5;
	[smem:$0x3FB3] =	sst s0  }
0x18: {  	s0 =	sld [smem:$0x3F96];
	_ =	swait.ge [sflag:s4], $0x0  }
0x19: {  	s7 =	sld [smem:$0x3F97]  }
0x1a: {  	s8 =	sadd.s32 $0xFFFFE003, lr  }
0x1b: {  	s9 =	sadd.s32 $0xFFFFFEF7, lr;
	s5 =	simm.s32 $0xFFFFFFFF;
	p2 =	slt.u32 s8, $0xFFFFF086  }
0x1c: {  	p1 =	slt.u32 s9, $0xF7A;
	s5 =	simm.s32 @!p2 $0x0  }
0x1d: {  	s5 =	simm.s32 @p1 $0x1;
	p0 =	seq.s32 s7, s2  }
0x1e: {  	s7 =	smul.u32 @!p0 $0xF7A, s2;
	p2 =	seq.s32 @!p0 s5, $0x0  }
0x1f: {  	s9 =	smul.u32 $0xF7A, s1;
	s8 =	simm.s32 @!p0 $0x1BF5;
	p2 =	por !p2, p0  }
0x20: {  	[sflag:s8] =	ssyncset.s32 @!p0 $0xFFFFF086;
	s6 =	sadd.s32 @!p0 s3, s7;
	s7 =	simm.s32 @!p0 $0x108  }
0x21: {  	s3 =	sadd.s32 s3, s9;
	s6 =	sadd.s32 @!p0 $0x88, s6;
	s7 =	simm.s32 @p2 $0x1082  }
0x22: {  	[simem:s7], [sflag:s8] =	dma.local @!p0 [hbm:s6], $0xF7A  }
0x23: {  	s9 =	sor.u32 $0xD0000000, s2;
	s6 =	simm.s32 $0x108;
	_ =	swait.ge @!p0 [sflag:s8], $0x0  }
0x24: {  	s3 =	sadd.s32 $0x88, s3;
	s6 =	simm.s32 @!p1 $0x1082;
	[sflag:s4] =	ssyncset.s32 $0xFFFFF086  }
0x25: {  	[simem:s6], [sflag:s4] =	dma.local [hbm:s3], $0xF7A  }
0x26: {  	[smem:$0x3F97] =	sst s1;
	(tag) =	ssettag s2;
	_ =	strace s9  }
0x27: {  	s1 =	sld [smem:$0x3FA7]  }
0x28: {  	s2 =	sld [smem:$0x3FA8]  }
0x29: {  	s4 =	sld [smem:$0x3FAA]  }
0x2a: {  	p0 =	seq.s32 s5, $0x0;
	s5 =	sld [smem:$0x3FAB]  }
0x2b: {  	s6 =	sld [smem:$0x3FAC]  }
0x2c: {  	s7 =	sld [smem:$0x3FAD]  }
0x2d: {  	s3 =	simm.s32 $0x108;
	s8 =	sld [smem:$0x3FAE]  }
0x2e: {  	s3 =	simm.s32 @!p0 $0x1082;
	s9 =	sld [smem:$0x3FAF]  }
0x2f: {  	lr =	sadd.s32 s0, s3;
	s0 =	sld [smem:$0x3FA6]  }
0x30: {  	s3 =	sld [smem:$0x3FA9]  }
0x31: {  	[smem:$0x3FB2] =	sst s10  }
0x32: {  	s10 =	sld [smem:$0x3FB0];
	_ =	sdelay $0x3  }
0x33: {  	p0 =	seq.s32 s10, $0x1;
	s10 =	sld [smem:$0x3FB2];
	_ =	sdelay $0x3  }
0x34: {  	[smem:$0x3FB2] =	sst s10  }
0x35: {  	s10 =	sld [smem:$0x3FB1];
	_ =	sdelay $0x3  }
0x36: {  	p1 =	seq.s32 s10, $0x1;
	s10 =	sld [smem:$0x3FB2];
	_ =	sdelay $0x3  }
0x37: {  	[smem:$0x3FB2] =	sst s10  }
0x38: {  	s10 =	sld [smem:$0x3FB3]  }
0x39: {  	_ = 	snop;
	(pc) =	sbr.ind lr, $3  }
0x3a: {  	_ = 	snop  }
0x3b: {  	_ = 	snop  }
0x3c: {  	p2 =	seq.s32 s10, $0x1;
	s10 =	sld [smem:$0x3FB2]  }
0x3d: {  	_ =	shalt  }
0x3e: {  	_ =	shalt  }
0x3f: {  	_ =	shalt  }
0x40: {  	_ =	shalt  }
0x41: {  	_ =	shalt  }
0x42: {  	_ =	shalt  }
0x43: {  	_ =	shalt  }
0x44: {  	_ =	shalt  }
0x45: {  	_ =	shalt  }
0x46: {  	_ =	shalt  }
0x47: {  	_ =	shalt  }
0x48: {  	_ =	shalt  }
0x49: {  	_ =	shalt  }
0x4a: {  	_ =	shalt  }
0x4b: {  	_ =	shalt  }
0x4c: {  	_ =	shalt  }
0x4d: {  	_ =	shalt  }
0x4e: {  	_ =	shalt  }
0x4f: {  	_ =	shalt  }
0x50: {  	_ =	shalt  }
0x51: {  	_ =	shalt  }
0x52: {  	_ =	shalt  }
0x53: {  	_ =	shalt  }
0x54: {  	_ =	shalt  }
0x55: {  	_ =	shalt  }
0x56: {  	_ =	shalt  }
0x57: {  	_ =	shalt  }
0x58: {  	_ =	shalt  }
0x59: {  	_ =	shalt  }
0x5a: {  	_ =	shalt  }
0x5b: {  	_ =	shalt  }
0x5c: {  	_ =	shalt  }
0x5d: {  	_ =	shalt  }
0x5e: {  	_ =	shalt  }
0x5f: {  	_ =	shalt  }
0x60: {  	_ =	shalt  }
0x61: {  	_ =	shalt  }
0x62: {  	_ =	shalt  }
0x63: {  	_ =	shalt  }
0x64: {  	_ =	shalt  }
0x65: {  	_ =	shalt  }
0x66: {  	_ =	shalt  }
0x67: {  	_ =	shalt  }
0x68: {  	_ =	shalt  }
0x69: {  	_ =	shalt  }
0x6a: {  	_ =	shalt  }
0x6b: {  	_ =	shalt  }
0x6c: {  	_ =	shalt  }
0x6d: {  	_ =	shalt  }
0x6e: {  	_ =	shalt  }
0x6f: {  	_ =	shalt  }
0x70: {  	_ =	shalt  }
0x71: {  	_ =	shalt  }
0x72: {  	_ =	shalt  }
0x73: {  	_ =	shalt  }
0x74: {  	_ =	shalt  }
0x75: {  	_ =	shalt  }
0x76: {  	_ =	shalt  }
0x77: {  	_ =	shalt  }
0x78: {  	_ =	shalt  }
0x79: {  	_ =	shalt  }
0x7a: {  	_ =	shalt  }
0x7b: {  	_ =	shalt  }
0x7c: {  	_ =	shalt  }
0x7d: {  	_ =	shalt  }
0x7e: {  	_ =	shalt  }
0x7f: {  	_ =	shalt  }
0x80: {  	_ =	shalt  }
0x81: {  	_ =	shalt  }
0x82: {  	_ =	shalt  }
0x83: {  	_ =	shalt  }
0x84: {  	_ =	shalt  }
0x85: {  	_ =	shalt  }
0x86: {  	_ =	shalt  }
0x87: {  	_ =	shalt  }
.Lfunc_end0:
.L_simem_size_0:
called_computation.3_lowered:
.L_overlay_start_0:
0x88: {  	s2 =	sld [smem:$0x3FD9]  }
0x89: {  	s3 =	sld [smem:$0x3FFE];
	_ =	sdelay $0x1  }
0x8a: {  	s1 =	srdreg.scid  }
0x8b: {  	s0 =	sand.u32 $0x1, s1  }
0x8c: {  	s17 =	sshll.u32 s0, $0xA;
	s2 =	sadd.s32 s3, s2  }
0x8d: {  	s2 =	sadd.s32 s2, s17  }
0x8e: {  	[smem:$0x3FBE] =	sst s2  }
0x8f: {  	_ = 	snop  }
0x90: {  	s2 =	sld [smem:$0x3FD0];
	(tm) =	ssettm $0x1  }
0x91: {  	s18 =	sld [smem:$0x3FFB];
	_ =	sdelay $0x3  }
0x92: {  	_ =	strace s18  }
0x93: {  	s3 =	sld [smem:$0x3FFC];
	_ =	sdelay $0x3  }
0x94: {  	_ =	strace s3  }
0x95: {  	s3 =	sld [smem:$0x3FFD];
	_ =	sdelay $0x3  }
0x96: {  	_ =	strace s3  }
0x97: {  	_ =	strace $0x8FFFFFFF  }
0x98: {  	s19 =	sld [smem:$0x3FDB];
	_ =	sdelay $0x1  }
0x99: {  	s4 =	simm.s32 $_scs_section_size  }
0x9a: {  	s5 =	simm.s32 $_size__tile_overlayer_lowered;
	s6 =	simm.s32 $_tile_overlayer_lowered  }
0x9b: {  	s22 =	simm.s32 $0x1BFF;
	s21 =	sshll.u32 s6, $0x1;
	s3 =	sadd.s32 s4, s19  }
0x9c: {  	s7 =	simm.s32 $0x0;
	s20 =	sshll.u32 s5, $0x1;
	s5 =	sadd.s32 s21, s3  }
0x9d: {  	[timem:s7], [sflag:s22] =	dma.local [hbm:s5], s20  }
0x9e: {  	_ =	swait.ge [sflag:s22], s20  }
0x9f: {  	s4 =	ssub.s32 $0x0, s20;
	[sflag:s22] =	ssyncset.done $0x0  }
0xa0: {  	[sflag:s22] =	ssyncadd.s32 s4;
	_ =	sdelay $0x1  }
0xa1: {  	s23 =	simm.s32 $0x1B8B  }
0xa2: {  	_ =	swait.ge [sflag:s23], $0x1  }
0xa3: {  	[sflag:s23] =	ssyncset.done $0x0  }
0xa4: {  	s25 =	simm.s32 $0x1B8E;
	s24 =	sld [smem:$0x3FFE];
	[sflag:s23] =	ssyncadd.s32 $0xFFFFFFFF  }
0xa5: {  	s26 =	simm.s32 $execute0_lowered;
	[smem:$0x3FD2] =	sst s25  }
0xa6: {  	s5 =	sshll.u32 s26, $0x1;
	_ =	strace $0x8000004F;
	[dreg:$0x1] =	wrdreg $0xFFFFFFFF  }
0xa7: {  	s28 =	simm.s32 $_size_execute0_lowered;
	s3 =	sadd.s32 s3, s5;
	[dreg:$0x0] =	wrdreg $0x0  }
0xa8: {  	s5 =	sshll.u32 s28, $0x1;
	[dreg:$0x2] =	wrdreg s3  }
0xa9: {  	[dreg:$0x3] =	wrdreg s5  }
0xaa: {  	[dreg:$0x4] =	wrdreg $0xC0  }
0xab: {  	_ =	task [dreg:s7], $0x5FFFF  }
0xac: {  	[dreg:$0x1] =	wrdreg $0xFFFFFFFF  }
0xad: {  	[dreg:$0x0] =	wrdreg $0x60  }
0xae: {  	[dreg:$0x2] =	wrdreg s2  }
0xaf: {  	[dreg:$0x3] =	wrdreg s24  }
0xb0: {  	[dreg:$0x4] =	wrdreg $0x90000  }
0xb1: {  	[dreg:$0x5] =	wrdreg $0x9  }
0xb2: {  	_ =	task.clear_ibuf [dreg:s7], $0x6FFFF;
	_ =	strace $0x9000004F  }
0xb3: {  	s29 =	simm.s32 $0x9;
	_ =	strace $0x80000051  }
0xb4: {  	_ =	swait.ge [sflag:s29], $0x1  }
0xb5: {  	[sflag:s29] =	ssyncadd.s32 $0xFFFFFFFF  }
0xb6: {  	_ =	strace $0x90000051  }
0xb7: {  	_ =	sfence  }
0xb8: {  	s30 =	sld [smem:$0x0];
	_ =	sdelay $0x2  }
0xb9: {  	s31 =	sshll.u32 s1, $0xD;
	s1 =	sshrl.u32 s1, $0x2  }
0xba: {  	s3 =	sand.u32 $0x4000, s31;
	s1 =	sadd.s32 s1, s30  }
0xbb: {  	s0 =	sor.u32 s3, s0;
	s1 =	sshll.u32 s1, $0x11  }
0xbc: {  	s0 =	sor.u32 s1, s0  }
0xbd: {  	s0 =	sadd.s32 $0x8F2B, s0  }
0xbe: {  	[sflag:s0] =	ssyncadd.remote.s32 $0x1  }
0xbf: {  	_ =	sfence.sel $0xFFFF  }
0xc0: {  	[dreg:$0x0] =	wrdreg $0xFFFFFFFF;
	(pc) =	sbr.abs _section_cstart, $3  }
0xc1: {  	[dreg:$0x1] =	wrdreg $0xFFFFFFFF  }
0xc2: {  	_ =	task.clear_ibuf [dreg:s7], $0x2FFFF;
	_ =	strace $0x9FFFFFFF  }
0xc3: {  	(tm) =	ssettm $0x7FFFFFFF  }
tec
execute0_lowered:
.L_overlay_start_1:
0x0: {  	(tag) =	ssettag $0x1  }
0x1: {  	s0 =	rddreg [dreg:$0x0];
	s2 =	stileid.u32  }
0x2: {  	s5 =	rddreg [dreg:$0x1];
	s8 =	smul.u32 $0x2800, s2  }
0x3: {  	s1 =	srdreg.scid;
	s9 =	smul.u32 $0x50000, s2  }
0x4: {  	s3 =	rddreg [dreg:$0x2];
	s6 =	sand.u32 $0x1, s1;
	s15 =	smul.u32 $0x14000, s2  }
0x5: {  	s4 =	simm.s32 $0x0;
	s1 =	rddreg [dreg:$0x3];
	s7 =	smul.u32 $0x28000, s6  }
0x6: {  	[smem:$0x7FF] =	sst s4;
	s16 =	smul.u32 $0x140000, s6;
	s6 =	ssub.s32 $0x2, s6  }
0x7: {  	s17 =	sadd.s32 $0x69400, s5;
	_ =	strace $0x80000050;
	s24 =	sshrl.u32 s6, $0x1  }
0x8: {  	s25 =	sshrl.u32 s9, $0x2;
	s18 =	sadd.s32 $0x4000, s15;
	s19 =	sadd.s32 $0x8000, s15  }
0x9: {  	s20 =	sadd.s32 $0xC000, s15;
	s23 =	sadd.s32 $0x10000, s15;
	s7 =	sadd.s32 s8, s7  }
0xa: {  	s10 =	ssub.s32 s6, s24;
	s26 =	sadd.s32 s16, s15;
	s13 =	sadd.s32 s16, s18  }
0xb: {  	s22 =	sadd.s32 s18, s3;
	s28 =	sadd.s32 s16, s19;
	s21 =	sadd.s32 s16, s20  }
0xc: {  	s30 =	sadd.s32 s16, s23;
	s24 =	sadd.s32 s19, s3;
	s19 =	simm.s32 $0x2  }
0xd: {  	s7 =	sshrl.u32 s7, $0x3;
	s8 =	sshrl.u32 s26, $0x3;
	s9 =	smax.u32 s10, $0x1  }
0xe: {  	s14 =	sshrl.u32 s13, $0x3;
	s18 =	sshrl.u32 s28, $0x3;
	s29 =	sshrl.u32 s21, $0x3  }
0xf: {  	s31 =	sshrl.u32 s30, $0x3;
	s26 =	sadd.s32 s23, s3;
	s21 =	simm.s32 $0x80  }
0x10: {  	s22 =	sshrl.u32 s22, $0x3;
	s23 =	sshrl.u32 s24, $0x3;
	s7 =	sadd.s32 s7, s5  }
0x11: {  	s5 =	sadd.s32 s25, s3;
	s8 =	sadd.s32 s17, s8;
	s14 =	sadd.s32 s17, s14  }
0x12: {  	s15 =	sadd.s32 s17, s18;
	s16 =	sadd.s32 s17, s29;
	s25 =	sadd.s32 s20, s3  }
0x13: {  	s17 =	sadd.s32 s17, s31;
	s18 =	simm.s32 $0x5000;
	s20 =	simm.s32 $0x2800  }
0x14: {  	s6 =	sadd.s32 $0x5F400, s7;
	s7 =	sadd.s32 $0x5400, s7;
	s10 =	sadd.s32 $0x4000, s5  }
0x15: {  	s11 =	sadd.s32 $0x8000, s5;
	s12 =	sadd.s32 $0xC000, s5;
	s13 =	sadd.s32 $0x10000, s5  }
0x16: {  	v0 =	vimm.f32 $0.0e+00;
	s24 =	sshrl.u32 s25, $0x3;
	s25 =	sshrl.u32 s26, $0x3;
	s26 =	simm.s32 $0x1  }
.LBB2_1:
0x17: {  	s28 =	simm.s32 $0x0;
	s29 =	simm.s32 $0x200  }
.LBB2_2:
0x18: {  	p0 =	sne.s32 s29, $0xFE00;
	[tilespmem:s28+$0x5070] =	vst v0  }
0x19: {  	[tilespmem:s28+$0x5000] =	vst v0  }
0x1a: {  	[tilespmem:s28+$0x5010] =	vst v0  }
.Ltmp0:
0x1b: {  	[tilespmem:s28+$0x5020] =	vst v0;
	(pc) =	sbr.rel @p0 .LBB2_2-.Ltmp0, $4  }
0x1c: {  	[tilespmem:s28+$0x5030] =	vst v0  }
0x1d: {  	[tilespmem:s28+$0x5040] =	vst v0  }
0x1e: {  	[tilespmem:s28+$0x5050] =	vst v0  }
0x1f: {  	[tilespmem:s28+$0x5060] =	vst v0;
	s28 =	sshra.s32 s29, $0x2;
	s29 =	sadd.s32 $0x200, s29  }
0x20: {  	[tilespmem:s28+$0x5070] =	vst v0  }
0x21: {  	[tilespmem:s28+$0x5000] =	vst v0  }
0x22: {  	[tilespmem:s28+$0x5010] =	vst v0  }
0x23: {  	[tilespmem:s28+$0x5020] =	vst v0  }
0x24: {  	[tilespmem:s28+$0x5030] =	vst v0  }
0x25: {  	[tilespmem:s28+$0x5040] =	vst v0  }
0x26: {  	[tilespmem:s28+$0x5050] =	vst v0  }
0x27: {  	[tilespmem:s28+$0x5060] =	vst v0  }
0x28: {  	[spmem:s5] =	stream.linear.scatter [tilespmem:s18], [sflag:$0x2], $0x4000, $0x38;
	[tilespmem:$0x1D000] =	vst v63  }
0x29: {  	_ =	swait.ge [sflag:s19], $0x4000  }
0x2a: {  	[sflag:s19] =	ssyncset.done $0x0  }
0x2b: {  	[sflag:s19] =	ssyncadd.s32 $0xFFFFC000  }
0x2c: {  	[spmem:s10] =	stream.linear.scatter [tilespmem:s18], [sflag:$0x2], $0x4000, $0x38;
	[tilespmem:$0x1D000] =	vst v63  }
0x2d: {  	_ =	swait.ge [sflag:s19], $0x4000  }
0x2e: {  	[sflag:s19] =	ssyncset.done $0x0  }
0x2f: {  	[sflag:s19] =	ssyncadd.s32 $0xFFFFC000  }
0x30: {  	[spmem:s11] =	stream.linear.scatter [tilespmem:s18], [sflag:$0x2], $0x4000, $0x38;
	[tilespmem:$0x1D000] =	vst v63  }
0x31: {  	_ =	swait.ge [sflag:s19], $0x4000  }
0x32: {  	[sflag:s19] =	ssyncset.done $0x0  }
0x33: {  	[sflag:s19] =	ssyncadd.s32 $0xFFFFC000  }
0x34: {  	[spmem:s12] =	stream.linear.scatter [tilespmem:s18], [sflag:$0x2], $0x4000, $0x38;
	[tilespmem:$0x1D000] =	vst v63  }
0x35: {  	_ =	swait.ge [sflag:s19], $0x4000  }
0x36: {  	[sflag:s19] =	ssyncset.done $0x0  }
0x37: {  	[sflag:s19] =	ssyncadd.s32 $0xFFFFC000  }
0x38: {  	[spmem:s13] =	stream.linear.scatter [tilespmem:s18], [sflag:$0x2], $0x4000, $0x38;
	[tilespmem:$0x1D000] =	vst v63  }
0x39: {  	_ =	swait.ge [sflag:s19], $0x4000  }
0x3a: {  	[sflag:s19] =	ssyncset.done $0x0  }
0x3b: {  	s28 =	simm.s32 $0x0;
	[sflag:s19] =	ssyncadd.s32 $0xFFFFC000  }
0x3c: {  	[tilespmem:s28], [sflag:$0x2] =	stream.linear.gather [hbm4b:s6+s28], $0x2780, $0x38;
	[tilespmem:$0x1D000] =	vst v63  }
0x3d: {  	_ =	swait.ge [sflag:s19], $0x2780  }
0x3e: {  	[sflag:s19] =	ssyncset.done $0x0  }
0x3f: {  	[sflag:s19] =	ssyncadd.s32 $0xFFFFD880  }
0x40: {  	[tilespmem:s20], [sflag:$0x2] =	stream.linear.gather [hbm4b:s7+s28], $0x2780, $0x38;
	[tilespmem:$0x1D000] =	vst v63  }
0x41: {  	_ =	swait.ge [sflag:s19], $0x2780  }
0x42: {  	[sflag:s19] =	ssyncset.done $0x0  }
0x43: {  	[sflag:s19] =	ssyncadd.s32 $0xFFFFD880  }
0x44: {  	s28 =	simm.s32 $0x0;
	[bflag:$0x0] =	sbarrier.arrive $0xFFFF  }
0x45: {  	[tilespmem:s18], [sflag:$0x1] =	stream.indirect.gather [hbm4b:s0+s21], $0x80, s28, s21, $0xb8;
	[tilespmem:$0x1D000] =	vst v63  }
0x46: {  	_ =	swait.ge [sflag:s26], $0x4000  }
0x47: {  	[sflag:s26] =	ssyncset.done $0x0  }
0x48: {  	s28 =	simm.s32 $0x2800;
	[sflag:s26] =	ssyncadd.s32 $0xFFFFC000  }
0x49: {  	[spmem:s3] =	stream.indirect.scatter.add.f32 [tilespmem:s18], [sflag:$0x2], $0x80, s28, s21, $0xb8;
	[tilespmem:$0x1D000] =	vst v63  }
0x4a: {  	_ =	swait.ge [sflag:s19], $0x4000  }
0x4b: {  	s29 =	simm.s32 $0x400;
	s28 =	simm.s32 $0x200;
	[sflag:s19] =	ssyncset.done $0x0  }
.LBB2_4:
0x4c: {  	s30 =	sshra.s32 s28, $0x2  }
0x4d: {  	[sflag:s19] =	ssyncadd.s32 $0xFFFFC000;
	s28 =	smov.u32 s29;
	s31 =	sadd.s32 $0x200, s29  }
0x4e: {  	[tilespmem:s18], [sflag:$0x1] =	stream.indirect.gather [hbm4b:s0+s21], $0x80, s30, s21, $0xb8;
	[tilespmem:$0x1D000] =	vst v63  }
0x4f: {  	p0 =	sne.s32 s29, $0x9C00;
	_ =	swait.ge [sflag:s26], $0x4000  }
.Ltmp1:
0x50: {  	[sflag:s26] =	ssyncset.done $0x0;
	(pc) =	sbr.rel @p0 .LBB2_4-.Ltmp1, $4  }
0x51: {  	s29 =	sadd.s32 $0x2800, s30;
	[sflag:s26] =	ssyncadd.s32 $0xFFFFC000  }
0x52: {  	[spmem:s3] =	stream.indirect.scatter.add.f32 [tilespmem:s18], [sflag:$0x2], $0x80, s29, s21, $0xb8;
	[tilespmem:$0x1D000] =	vst v63  }
0x53: {  	_ =	swait.ge [sflag:s19], $0x4000  }
0x54: {  	s29 =	smov.u32 s31;
	[sflag:s19] =	ssyncset.done $0x0  }
0x55: {  	s28 =	sshra.s32 s28, $0x2;
	[sflag:s19] =	ssyncadd.s32 $0xFFFFC000  }
0x56: {  	[tilespmem:s18], [sflag:$0x1] =	stream.indirect.gather [hbm4b:s0+s21], $0x80, s28, s21, $0xb8;
	[tilespmem:$0x1D000] =	vst v63  }
0x57: {  	_ =	swait.ge [sflag:s26], $0x4000  }
0x58: {  	[sflag:s26] =	ssyncset.done $0x0  }
0x59: {  	s28 =	sadd.s32 $0x2800, s28;
	[sflag:s26] =	ssyncadd.s32 $0xFFFFC000  }
0x5a: {  	[spmem:s3] =	stream.indirect.scatter.add.f32 [tilespmem:s18], [sflag:$0x2], $0x80, s28, s21, $0xb8;
	[tilespmem:$0x1D000] =	vst v63  }
0x5b: {  	_ =	swait.ge [sflag:s19], $0x4000  }
0x5c: {  	[sflag:s19] =	ssyncset.done $0x0  }
0x5d: {  	s31 =	sshll.u32 s2, $0x6;
	[sflag:s19] =	ssyncadd.s32 $0xFFFFC000  }
0x5e: {  	s29 =	sshrl.u32 s5, $0x3;
	s28 =	sor.u32 $0x1C02, s31;
	[bflag:$0x0] =	sbarrier.arrive $0xFFFF  }
0x5f: {  	[hbm:s8], [sflag:s28] =	dma.local [spmem:s29], $0x800  }
0x60: {  	_ =	swait.ge [sflag:s19], $0x800  }
0x61: {  	[sflag:s19] =	ssyncset.done $0x0  }
0x62: {  	[sflag:s19] =	ssyncadd.s32 $0xFFFFF800  }
0x63: {  	[hbm:s14], [sflag:s28] =	dma.local [spmem:s22], $0x800  }
0x64: {  	_ =	swait.ge [sflag:s19], $0x800  }
0x65: {  	[sflag:s19] =	ssyncset.done $0x0  }
0x66: {  	[sflag:s19] =	ssyncadd.s32 $0xFFFFF800  }
0x67: {  	[hbm:s15], [sflag:s28] =	dma.local [spmem:s23], $0x800  }
0x68: {  	_ =	swait.ge [sflag:s19], $0x800  }
0x69: {  	[sflag:s19] =	ssyncset.done $0x0  }
0x6a: {  	[sflag:s19] =	ssyncadd.s32 $0xFFFFF800  }
0x6b: {  	[hbm:s16], [sflag:s28] =	dma.local [spmem:s24], $0x800  }
0x6c: {  	s4 =	sadd.s32 $0x1, s4;
	_ =	swait.ge [sflag:s19], $0x800  }
0x6d: {  	p0 =	sne.s32 s4, s9;
	[sflag:s19] =	ssyncset.done $0x0  }
.Ltmp2:
0x6e: {  	[sflag:s19] =	ssyncadd.s32 $0xFFFFF800;
	(pc) =	sbr.rel @p0 .LBB2_1-.Ltmp2, $4  }
0x6f: {  	[hbm:s17], [sflag:s28] =	dma.local [spmem:s25], $0x800  }
0x70: {  	_ =	swait.ge [sflag:s19], $0x800  }
0x71: {  	[sflag:s19] =	ssyncset.done $0x0  }
0x72: {  	[sflag:s19] =	ssyncadd.s32 $0xFFFFF800  }
0x73: {  	_ =	sfence.sel $0x180000  }
0x74: {  	[bflag:$0x0] =	sbarrier.arrive $0xFFFF  }
0x75: {  	p0 =	sne.s32 s2, $0x0;
	_ =	strace $0x90000050  }
0x76: {  	s0 =	sadd.s32 @!p0 $0x100000, s1;
	[bflag:$0x2] =	sbarrier.arrive $0xFFFF  }
0x77: {  	[sflag:s0] =	ssyncadd.tile.s32 @!p0 $0x1;
	_ =	shalt  }
.Lfunc_end2:
_tile_overlayer_lowered:
.L_overlay_start_2:
0x78: {  	(tag) =	ssettag $0x2  }
0x79: {  	s0 =	rddreg [dreg:$0x0];
	s2 =	stileid.u32  }
0x7a: {  	s1 =	rddreg [dreg:$0x1];
	p0 =	sne.s32 s2, $0x0  }
0x7b: {  	s3 =	rddreg [dreg:$0x2];
	[bflag:$0x3] =	sbarrier.arrive $0xFFFF;
	s2 =	simm.s32 @!p0 $0x1C02  }
0x7c: {  	[timem:s3], [sflag:s2] =	dma.local @!p0 [hbm:s0], s1  }
0x7d: {  	s0 =	simm.s32 @!p0 $0x2  }
0x7e: {  	_ =	swait.ge @!p0 [sflag:s0], s1  }
0x7f: {  	s1 =	ssub.s32 @!p0 $0x0, s1;
	[sflag:s0] =	ssyncset.done @!p0 $0x0  }
0x80: {  	[sflag:s0] =	ssyncadd.s32 @!p0 s1  }
0x81: {  	[bflag:$0x3] =	sbarrier.arrive $0xFFFF  }
0x82: {  	_ =	shalt  }

</sc_bundles>
